<compile_context>
chip_gen: v7x
topology: tpu7x:2x2x1
jax: 0.10.2.dev20260603
libtpu: 0.0.44.dev20260713+nightly
codegen_flags: <defaults>
</compile_context>

<pallas_src>
import functools

import jax
import jax.numpy as jnp
from jax import lax
from jax.experimental import pallas as pl
from jax.experimental.pallas import tpu as pltpu
from jax.experimental.pallas import tpu_sc as plsc

_B, _V = 128, 100000
_VC = 4096
_NC = (_V + _VC - 1) // _VC
_NEG_INF = float("-inf")


def _tc_body(xf_ref, xa_ref, uf_ref, ua_ref,
             winf_ref, wina_ref, stats_ref, acc_ref, bi_ref):
    c = pl.program_id(0)

    @pl.when(c == 0)
    def _init():
        acc_ref[...] = jnp.zeros_like(acc_ref)
        acc_ref[:, 2:3] = jnp.full((_B, 1), _NEG_INF, jnp.float32)
        acc_ref[:, 5:6] = jnp.full((_B, 1), _NEG_INF, jnp.float32)

    def _process(masked):
        iota = jax.lax.broadcasted_iota(jnp.int32, (_B, _VC), 1)
        for head, (x_ref, u_ref) in enumerate(
                ((xf_ref, uf_ref), (xa_ref, ua_ref))):
            x = x_ref[...]
            e = jnp.exp(x)
            key = x - jnp.log(-jnp.log(u_ref[...]))
            if masked:
                valid = iota < (_V - c * _VC)
                e = jnp.where(valid, e, 0.0)
                key = jnp.where(valid, key, _NEG_INF)
            o = 3 * head
            acc_ref[:, o + 0:o + 1] += jnp.sum(e, axis=1, keepdims=True)
            acc_ref[:, o + 1:o + 2] += jnp.sum(e * x, axis=1, keepdims=True)
            cm = jnp.max(key, axis=1, keepdims=True)
            ci = jnp.min(jnp.where(key == cm, iota, _VC),
                         axis=1, keepdims=True)
            upd = cm > acc_ref[:, o + 2:o + 3]
            acc_ref[:, o + 2:o + 3] = jnp.where(
                upd, cm, acc_ref[:, o + 2:o + 3])
            bi_ref[:, head:head + 1] = jnp.where(
                upd, ci + c * _VC, bi_ref[:, head:head + 1])

    @pl.when(c < _NC - 1)
    def _full():
        _process(False)

    @pl.when(c == _NC - 1)
    def _ragged():
        _process(True)
        a = acc_ref[...]
        lse = jnp.log(a[:, 0:1]) + jnp.log(a[:, 3:4])
        winf_ref[...] = bi_ref[:, 0:1]
        wina_ref[...] = bi_ref[:, 1:2]
        stats_ref[:, 0:1] = lse
        stats_ref[:, 1:2] = lse - a[:, 1:2] / a[:, 0:1] - a[:, 4:5] / a[:, 3:4]


def _tc_stats(logits_force, logits_angle, u_force, u_angle):
    big = pl.BlockSpec((_B, _VC), lambda c: (0, c))
    small = lambda w: pl.BlockSpec((_B, w), lambda c: (0, 0))
    return pl.pallas_call(
        _tc_body,
        grid=(_NC,),
        in_specs=[big, big, big, big],
        out_specs=[small(1), small(1), small(2)],
        out_shape=[
            jax.ShapeDtypeStruct((_B, 1), jnp.int32),
            jax.ShapeDtypeStruct((_B, 1), jnp.int32),
            jax.ShapeDtypeStruct((_B, 2), jnp.float32),
        ],
        scratch_shapes=[
            pltpu.VMEM((_B, 6), jnp.float32),
            pltpu.VMEM((_B, 2), jnp.int32),
        ],
    )(logits_force, logits_angle, u_force, u_angle)


_ROWS_PER_WORKER = 16
_N_WORKERS = _B // _ROWS_PER_WORKER


@functools.partial(
    pl.kernel,
    mesh=plsc.VectorSubcoreMesh(core_axis_name="c", subcore_axis_name="s"),
    out_type=[
        jax.ShapeDtypeStruct((_B,), jnp.float32),
        jax.ShapeDtypeStruct((_B,), jnp.float32),
    ],
    scratch_types=[
        pltpu.VMEM((16,), jnp.int32),
        pltpu.VMEM((16,), jnp.int32),
        pltpu.VMEM((16,), jnp.float32),
        pltpu.VMEM((16,), jnp.float32),
        pltpu.VMEM((16,), jnp.float32),
        pltpu.VMEM((16,), jnp.float32),
        pltpu.VMEM((16,), jnp.float32),
        pltpu.VMEM((16,), jnp.float32),
        pltpu.SemaphoreType.DMA,
    ],
)
def _sc_gather(xf, xa, winf, wina, laf, laa, lse,
               nlp_out, nlpa_out,
               iv, idx, g0, g1, g2, g3, lse_v, out_v, sem):
    wid = lax.axis_index("s") * 2 + lax.axis_index("c")

    @pl.when(wid < _N_WORKERS)
    def _():
        base = wid * _ROWS_PER_WORKER
        row_base = (base + lax.iota(jnp.int32, 16)) * _V
        for src, win_hbm, la_hbm, gw, gl in (
                (xf, winf, laf, g0, g1), (xa, wina, laa, g2, g3)):
            pltpu.sync_copy(win_hbm.at[pl.ds(base, 16)], iv)
            idx[...] = iv[...] + row_base
            pltpu.async_copy(src.at[idx], gw, sem).wait()
            pltpu.sync_copy(la_hbm.at[pl.ds(base, 16)], iv)
            idx[...] = iv[...] + row_base
            pltpu.async_copy(src.at[idx], gl, sem).wait()
        pltpu.sync_copy(lse.at[pl.ds(base, 16)], lse_v)
        out_v[...] = lse_v[...] - g0[...] - g2[...]
        pltpu.sync_copy(out_v, nlp_out.at[pl.ds(base, 16)])
        out_v[...] = lse_v[...] - g1[...] - g3[...]
        pltpu.sync_copy(out_v, nlpa_out.at[pl.ds(base, 16)])


def kernel(logits_force, logits_angle, u_force, u_angle, learn_action):
    winf, wina, stats = _tc_stats(logits_force, logits_angle,
                                  u_force, u_angle)
    nlp, nlpa = _sc_gather(
        logits_force.reshape(-1), logits_angle.reshape(-1),
        winf.reshape(-1), wina.reshape(-1),
        learn_action[:, 0].astype(jnp.int32),
        learn_action[:, 1].astype(jnp.int32),
        stats[:, 0])
    action = jnp.concatenate([winf, wina], axis=1)
    return action, nlp, nlpa, stats[:, 1]

# --- scband reference (transcript-rebuilt; emitter-appended) ---
"""Pipeline reference for scband-acmodel-12790412607520 (READ-ONLY COPY).

The authoritative reference and input builder live on the scoring server;
editing this copy changes nothing except your own understanding.
"""

import jax, jax.numpy as jnp
import numpy as np

B, V = 128, 100000


def _neglogp(logits, x):
    # tf.nn.softmax_cross_entropy_with_logits with one-hot labels of x
    a = logits - jnp.max(logits, axis=-1, keepdims=True)
    lse = jnp.log(jnp.sum(jnp.exp(a), axis=-1))
    picked = jnp.take_along_axis(a, x[:, None], axis=-1)[:, 0]
    return lse - picked


def _entropy(logits):
    a0 = logits - jnp.max(logits, axis=-1, keepdims=True)
    ea0 = jnp.exp(a0)
    z0 = jnp.sum(ea0, axis=-1, keepdims=True)
    p0 = ea0 / z0
    return jnp.sum(p0 * (jnp.log(z0) - a0), axis=-1)


def _sample(logits, u):
    # gumbel-max trick as in CategoricalPd.sample (mask=1 -> no masking term)
    return jnp.argmax(logits - jnp.log(-jnp.log(u)), axis=-1)


def setup_inputs(seed: int = 0) -> dict:
    key = jax.random.key(seed)
    k1, k2, k3, k4, k5 = jax.random.split(key, 5)
    return {
        "logits_force": jax.random.normal(k1, (B, V), dtype=jnp.float32),
        "logits_angle": jax.random.normal(k2, (B, V), dtype=jnp.float32),
        "u_force": jax.random.uniform(k3, (B, V), dtype=jnp.float32, minval=1e-6, maxval=1.0 - 1e-6),
        "u_angle": jax.random.uniform(k4, (B, V), dtype=jnp.float32, minval=1e-6, maxval=1.0 - 1e-6),
        "learn_action": jax.random.randint(k5, (B, 2), 0, V, dtype=jnp.int32),
    }


def reference(logits_force, logits_angle, u_force, u_angle, learn_action):
    # get_action(): sample both heads via gumbel-max, compute neglogp of sampled actions
    action_force = _sample(logits_force, u_force)
    action_angle = _sample(logits_angle, u_angle)
    neglogp_force = _neglogp(logits_force, action_force)
    neglogp_angle = _neglogp(logits_angle, action_angle)
    neglogp = neglogp_force + neglogp_angle
    action = jnp.concatenate([action_force.reshape(-1, 1), action_angle.reshape(-1, 1)], axis=1)
    # get_neglogp_entropy(): neglogp of provided learn_action + entropies
    force_ph = learn_action[:, 0]
    angle_ph = learn_action[:, 1]
    neglogp_a = _neglogp(logits_angle, angle_ph) + _neglogp(logits_force, force_ph)
    entropy = _entropy(logits_angle) + _entropy(logits_force)
    return action, neglogp, neglogp_a, entropy

if __name__ == "__main__":
    import jax
    _d = setup_inputs()
    print(jax.jit(kernel)(*tuple(_d.values())))

</pallas_src>

<mosaic_0001>
#map = affine_map<(d0, d1) -> (0)>
module attributes {stable_mosaic.version = 14 : i64} {
  func.func @_sc_gather(%arg0: i32, %arg1: i32, %arg2: memref<12800000xf32, #tpu.memory_space<hbm>>, %arg3: memref<12800000xf32, #tpu.memory_space<hbm>>, %arg4: memref<128xi32, #tpu.memory_space<hbm>>, %arg5: memref<128xi32, #tpu.memory_space<hbm>>, %arg6: memref<128xi32, #tpu.memory_space<hbm>>, %arg7: memref<128xi32, #tpu.memory_space<hbm>>, %arg8: memref<128xf32, #tpu.memory_space<hbm>>, %arg9: memref<128xf32, #tpu.memory_space<hbm>>, %arg10: memref<128xf32, #tpu.memory_space<hbm>>, %arg11: memref<16xi32, #tpu.memory_space<vmem>>, %arg12: memref<16xi32, #tpu.memory_space<vmem>>, %arg13: memref<16xf32, #tpu.memory_space<vmem>>, %arg14: memref<16xf32, #tpu.memory_space<vmem>>, %arg15: memref<16xf32, #tpu.memory_space<vmem>>, %arg16: memref<16xf32, #tpu.memory_space<vmem>>, %arg17: memref<16xf32, #tpu.memory_space<vmem>>, %arg18: memref<16xf32, #tpu.memory_space<vmem>>, %arg19: memref<!tpu.dma_semaphore, #tpu.memory_space<semaphore_mem>>) attributes {dimension_semantics = [#tpu.dimension_semantics<core_parallel>, #tpu.dimension_semantics<subcore_parallel>], iteration_bounds = array<i64: 2, 16>, scalar_prefetch = 0 : i64, scratch_operands = 9 : i64, tpu.core_type = #tpu.core_type<sc_vector_subcore>, window_params = [{transform_indices = #map}, {transform_indices = #map}, {transform_indices = #map}, {transform_indices = #map}, {transform_indices = #map}, {transform_indices = #map}, {transform_indices = #map}, {transform_indices = #map}, {transform_indices = #map}]} {
    %mul3A = arith.constant 2 : i32
    %mul3A_0 = arith.muli %arg1, %mul3A : i32
    %add3A = arith.addi %mul3A_0, %arg0 : i32
    %lt3A = arith.constant 8 : i32
    %lt3A_1 = arith.cmpi slt, %add3A, %lt3A : i32
    %convert_element_type3A = arith.extui %lt3A_1 : i1 to i32
    %cond3A = arith.constant 0 : i32
    %cond3A_2 = arith.cmpi ne, %convert_element_type3A, %cond3A : i32
    scf.if %cond3A_2 {
      %mul3A_3 = arith.constant 16 : i32
      %mul3A_4 = arith.muli %add3A, %mul3A_3 : i32
      %iota3A = tpu.iota {dimensions = array<i32: 0>} : vector<16xi32>
      %add3A_5 = vector.broadcast %mul3A_4 : i32 to vector<16xi32>
      %add3A_6 = arith.addi %add3A_5, %iota3A : vector<16xi32>
      %mul3A_7 = arith.constant 100000 : i32
      %mul3A_8 = vector.broadcast %mul3A_7 : i32 to vector<16xi32>
      %mul3A_9 = arith.muli %add3A_6, %mul3A_8 : vector<16xi32>
      "tpu.region"() ({
        %run_scoped3A = tpu.sem_alloc : memref<!tpu.dma_semaphore, #tpu.memory_space<semaphore_mem>>
        %dma_start3A_83 = tpu.memref_slice %arg4[%mul3A_4] : memref<128xi32, #tpu.memory_space<hbm>> -> memref<16xi32, #tpu.memory_space<hbm>>
        %dma_start3A_84 = tpu.memref_slice %arg4[%mul3A_4] : memref<128xi32, #tpu.memory_space<hbm>> -> memref<16xi32, #tpu.memory_space<hbm>>
        tpu.enqueue_dma source(%dma_start3A_84 : memref<16xi32, #tpu.memory_space<hbm>>) target(%arg11 : memref<16xi32, #tpu.memory_space<vmem>>) target_semaphore(%run_scoped3A : memref<!tpu.dma_semaphore, #tpu.memory_space<semaphore_mem>>)
        %dma_wait3A_85 = tpu.memref_slice %arg4[%mul3A_4] : memref<128xi32, #tpu.memory_space<hbm>> -> memref<16xi32, #tpu.memory_space<hbm>>
        %dma_wait3A_86 = tpu.memref_slice %arg4[%mul3A_4] : memref<128xi32, #tpu.memory_space<hbm>> -> memref<16xi32, #tpu.memory_space<hbm>>
        tpu.wait_dma2 semaphore(%run_scoped3A : memref<!tpu.dma_semaphore, #tpu.memory_space<semaphore_mem>>) src(%dma_wait3A_86 : memref<16xi32, #tpu.memory_space<hbm>>) dst(%arg11 : memref<16xi32, #tpu.memory_space<vmem>>)
        tpu.yield
      }) : () -> ()
      %get3A = arith.constant 0 : index
      %get3A_10 = tpu.vector_load %arg11[%get3A] {strides = array<i32>} : memref<16xi32, #tpu.memory_space<vmem>>, vector<16xi32>,
      %get3A_11 = vector.shape_cast %get3A_10 : vector<16xi32> to vector<16xi32>
      %add3A_12 = arith.addi %get3A_11, %mul3A_9 : vector<16xi32>
      %swap3A = arith.constant 0 : index
      %swap3A_13 = tpu.vector_load %arg12[%swap3A] {strides = array<i32>} : memref<16xi32, #tpu.memory_space<vmem>>, vector<16xi32>,
      %swap3A_14 = vector.shape_cast %swap3A_13 : vector<16xi32> to vector<16xi32>
      %swap3A_15 = vector.shape_cast %add3A_12 : vector<16xi32> to vector<16xi32>
      tpu.vector_store %arg12[%swap3A], %swap3A_15 {strides = array<i32>} : memref<16xi32, #tpu.memory_space<vmem>>, vector<16xi32>,
      %dma_start3A = arith.constant 0 : i32
      %dma_start3A_16 = tpu.memref_slice %arg2[%dma_start3A] : memref<12800000xf32, #tpu.memory_space<hbm>> -> memref<12800000xf32, #tpu.memory_space<hbm>>
      tpu.enqueue_indirect_dma source(%dma_start3A_16 : memref<12800000xf32, #tpu.memory_space<hbm>>) target(%arg13 : memref<16xf32, #tpu.memory_space<vmem>>) offsets(%arg12 : memref<16xi32, #tpu.memory_space<vmem>>) semaphore(%arg19 : memref<!tpu.dma_semaphore, #tpu.memory_space<semaphore_mem>>)
      %dma_wait3A = arith.constant 0 : i32
      %dma_wait3A_17 = tpu.memref_slice %arg2[%dma_wait3A] : memref<12800000xf32, #tpu.memory_space<hbm>> -> memref<12800000xf32, #tpu.memory_space<hbm>>
      tpu.wait_indirect_dma semaphore(%arg19 : memref<!tpu.dma_semaphore, #tpu.memory_space<semaphore_mem>>) src(%dma_wait3A_17 : memref<12800000xf32, #tpu.memory_space<hbm>>) dst(%arg13 : memref<16xf32, #tpu.memory_space<vmem>>)
      "tpu.region"() ({
        %run_scoped3A = tpu.sem_alloc : memref<!tpu.dma_semaphore, #tpu.memory_space<semaphore_mem>>
        %dma_start3A_83 = tpu.memref_slice %arg6[%mul3A_4] : memref<128xi32, #tpu.memory_space<hbm>> -> memref<16xi32, #tpu.memory_space<hbm>>
        %dma_start3A_84 = tpu.memref_slice %arg6[%mul3A_4] : memref<128xi32, #tpu.memory_space<hbm>> -> memref<16xi32, #tpu.memory_space<hbm>>
        tpu.enqueue_dma source(%dma_start3A_84 : memref<16xi32, #tpu.memory_space<hbm>>) target(%arg11 : memref<16xi32, #tpu.memory_space<vmem>>) target_semaphore(%run_scoped3A : memref<!tpu.dma_semaphore, #tpu.memory_space<semaphore_mem>>)
        %dma_wait3A_85 = tpu.memref_slice %arg6[%mul3A_4] : memref<128xi32, #tpu.memory_space<hbm>> -> memref<16xi32, #tpu.memory_space<hbm>>
        %dma_wait3A_86 = tpu.memref_slice %arg6[%mul3A_4] : memref<128xi32, #tpu.memory_space<hbm>> -> memref<16xi32, #tpu.memory_space<hbm>>
        tpu.wait_dma2 semaphore(%run_scoped3A : memref<!tpu.dma_semaphore, #tpu.memory_space<semaphore_mem>>) src(%dma_wait3A_86 : memref<16xi32, #tpu.memory_space<hbm>>) dst(%arg11 : memref<16xi32, #tpu.memory_space<vmem>>)
        tpu.yield
      }) : () -> ()
      %get3A_18 = arith.constant 0 : index
      %get3A_19 = tpu.vector_load %arg11[%get3A_18] {strides = array<i32>} : memref<16xi32, #tpu.memory_space<vmem>>, vector<16xi32>,
      %get3A_20 = vector.shape_cast %get3A_19 : vector<16xi32> to vector<16xi32>
      %add3A_21 = arith.addi %get3A_20, %mul3A_9 : vector<16xi32>
      %swap3A_22 = arith.constant 0 : index
      %swap3A_23 = tpu.vector_load %arg12[%swap3A_22] {strides = array<i32>} : memref<16xi32, #tpu.memory_space<vmem>>, vector<16xi32>,
      %swap3A_24 = vector.shape_cast %swap3A_23 : vector<16xi32> to vector<16xi32>
      %swap3A_25 = vector.shape_cast %add3A_21 : vector<16xi32> to vector<16xi32>
      tpu.vector_store %arg12[%swap3A_22], %swap3A_25 {strides = array<i32>} : memref<16xi32, #tpu.memory_space<vmem>>, vector<16xi32>,
      %dma_start3A_26 = arith.constant 0 : i32
      %dma_start3A_27 = tpu.memref_slice %arg2[%dma_start3A_26] : memref<12800000xf32, #tpu.memory_space<hbm>> -> memref<12800000xf32, #tpu.memory_space<hbm>>
      tpu.enqueue_indirect_dma source(%dma_start3A_27 : memref<12800000xf32, #tpu.memory_space<hbm>>) target(%arg14 : memref<16xf32, #tpu.memory_space<vmem>>) offsets(%arg12 : memref<16xi32, #tpu.memory_space<vmem>>) semaphore(%arg19 : memref<!tpu.dma_semaphore, #tpu.memory_space<semaphore_mem>>)
      %dma_wait3A_28 = arith.constant 0 : i32
      %dma_wait3A_29 = tpu.memref_slice %arg2[%dma_wait3A_28] : memref<12800000xf32, #tpu.memory_space<hbm>> -> memref<12800000xf32, #tpu.memory_space<hbm>>
      tpu.wait_indirect_dma semaphore(%arg19 : memref<!tpu.dma_semaphore, #tpu.memory_space<semaphore_mem>>) src(%dma_wait3A_29 : memref<12800000xf32, #tpu.memory_space<hbm>>) dst(%arg14 : memref<16xf32, #tpu.memory_space<vmem>>)
      "tpu.region"() ({
        %run_scoped3A = tpu.sem_alloc : memref<!tpu.dma_semaphore, #tpu.memory_space<semaphore_mem>>
        %dma_start3A_83 = tpu.memref_slice %arg5[%mul3A_4] : memref<128xi32, #tpu.memory_space<hbm>> -> memref<16xi32, #tpu.memory_space<hbm>>
        %dma_start3A_84 = tpu.memref_slice %arg5[%mul3A_4] : memref<128xi32, #tpu.memory_space<hbm>> -> memref<16xi32, #tpu.memory_space<hbm>>
        tpu.enqueue_dma source(%dma_start3A_84 : memref<16xi32, #tpu.memory_space<hbm>>) target(%arg11 : memref<16xi32, #tpu.memory_space<vmem>>) target_semaphore(%run_scoped3A : memref<!tpu.dma_semaphore, #tpu.memory_space<semaphore_mem>>)
        %dma_wait3A_85 = tpu.memref_slice %arg5[%mul3A_4] : memref<128xi32, #tpu.memory_space<hbm>> -> memref<16xi32, #tpu.memory_space<hbm>>
        %dma_wait3A_86 = tpu.memref_slice %arg5[%mul3A_4] : memref<128xi32, #tpu.memory_space<hbm>> -> memref<16xi32, #tpu.memory_space<hbm>>
        tpu.wait_dma2 semaphore(%run_scoped3A : memref<!tpu.dma_semaphore, #tpu.memory_space<semaphore_mem>>) src(%dma_wait3A_86 : memref<16xi32, #tpu.memory_space<hbm>>) dst(%arg11 : memref<16xi32, #tpu.memory_space<vmem>>)
        tpu.yield
      }) : () -> ()
      %get3A_30 = arith.constant 0 : index
      %get3A_31 = tpu.vector_load %arg11[%get3A_30] {strides = array<i32>} : memref<16xi32, #tpu.memory_space<vmem>>, vector<16xi32>,
      %get3A_32 = vector.shape_cast %get3A_31 : vector<16xi32> to vector<16xi32>
      %add3A_33 = arith.addi %get3A_32, %mul3A_9 : vector<16xi32>
      %swap3A_34 = arith.constant 0 : index
      %swap3A_35 = tpu.vector_load %arg12[%swap3A_34] {strides = array<i32>} : memref<16xi32, #tpu.memory_space<vmem>>, vector<16xi32>,
      %swap3A_36 = vector.shape_cast %swap3A_35 : vector<16xi32> to vector<16xi32>
      %swap3A_37 = vector.shape_cast %add3A_33 : vector<16xi32> to vector<16xi32>
      tpu.vector_store %arg12[%swap3A_34], %swap3A_37 {strides = array<i32>} : memref<16xi32, #tpu.memory_space<vmem>>, vector<16xi32>,
      %dma_start3A_38 = arith.constant 0 : i32
      %dma_start3A_39 = tpu.memref_slice %arg3[%dma_start3A_38] : memref<12800000xf32, #tpu.memory_space<hbm>> -> memref<12800000xf32, #tpu.memory_space<hbm>>
      tpu.enqueue_indirect_dma source(%dma_start3A_39 : memref<12800000xf32, #tpu.memory_space<hbm>>) target(%arg15 : memref<16xf32, #tpu.memory_space<vmem>>) offsets(%arg12 : memref<16xi32, #tpu.memory_space<vmem>>) semaphore(%arg19 : memref<!tpu.dma_semaphore, #tpu.memory_space<semaphore_mem>>)
      %dma_wait3A_40 = arith.constant 0 : i32
      %dma_wait3A_41 = tpu.memref_slice %arg3[%dma_wait3A_40] : memref<12800000xf32, #tpu.memory_space<hbm>> -> memref<12800000xf32, #tpu.memory_space<hbm>>
      tpu.wait_indirect_dma semaphore(%arg19 : memref<!tpu.dma_semaphore, #tpu.memory_space<semaphore_mem>>) src(%dma_wait3A_41 : memref<12800000xf32, #tpu.memory_space<hbm>>) dst(%arg15 : memref<16xf32, #tpu.memory_space<vmem>>)
      "tpu.region"() ({
        %run_scoped3A = tpu.sem_alloc : memref<!tpu.dma_semaphore, #tpu.memory_space<semaphore_mem>>
        %dma_start3A_83 = tpu.memref_slice %arg7[%mul3A_4] : memref<128xi32, #tpu.memory_space<hbm>> -> memref<16xi32, #tpu.memory_space<hbm>>
        %dma_start3A_84 = tpu.memref_slice %arg7[%mul3A_4] : memref<128xi32, #tpu.memory_space<hbm>> -> memref<16xi32, #tpu.memory_space<hbm>>
        tpu.enqueue_dma source(%dma_start3A_84 : memref<16xi32, #tpu.memory_space<hbm>>) target(%arg11 : memref<16xi32, #tpu.memory_space<vmem>>) target_semaphore(%run_scoped3A : memref<!tpu.dma_semaphore, #tpu.memory_space<semaphore_mem>>)
        %dma_wait3A_85 = tpu.memref_slice %arg7[%mul3A_4] : memref<128xi32, #tpu.memory_space<hbm>> -> memref<16xi32, #tpu.memory_space<hbm>>
        %dma_wait3A_86 = tpu.memref_slice %arg7[%mul3A_4] : memref<128xi32, #tpu.memory_space<hbm>> -> memref<16xi32, #tpu.memory_space<hbm>>
        tpu.wait_dma2 semaphore(%run_scoped3A : memref<!tpu.dma_semaphore, #tpu.memory_space<semaphore_mem>>) src(%dma_wait3A_86 : memref<16xi32, #tpu.memory_space<hbm>>) dst(%arg11 : memref<16xi32, #tpu.memory_space<vmem>>)
        tpu.yield
      }) : () -> ()
      %get3A_42 = arith.constant 0 : index
      %get3A_43 = tpu.vector_load %arg11[%get3A_42] {strides = array<i32>} : memref<16xi32, #tpu.memory_space<vmem>>, vector<16xi32>,
      %get3A_44 = vector.shape_cast %get3A_43 : vector<16xi32> to vector<16xi32>
      %add3A_45 = arith.addi %get3A_44, %mul3A_9 : vector<16xi32>
      %swap3A_46 = arith.constant 0 : index
      %swap3A_47 = tpu.vector_load %arg12[%swap3A_46] {strides = array<i32>} : memref<16xi32, #tpu.memory_space<vmem>>, vector<16xi32>,
      %swap3A_48 = vector.shape_cast %swap3A_47 : vector<16xi32> to vector<16xi32>
      %swap3A_49 = vector.shape_cast %add3A_45 : vector<16xi32> to vector<16xi32>
      tpu.vector_store %arg12[%swap3A_46], %swap3A_49 {strides = array<i32>} : memref<16xi32, #tpu.memory_space<vmem>>, vector<16xi32>,
      %dma_start3A_50 = arith.constant 0 : i32
      %dma_start3A_51 = tpu.memref_slice %arg3[%dma_start3A_50] : memref<12800000xf32, #tpu.memory_space<hbm>> -> memref<12800000xf32, #tpu.memory_space<hbm>>
      tpu.enqueue_indirect_dma source(%dma_start3A_51 : memref<12800000xf32, #tpu.memory_space<hbm>>) target(%arg16 : memref<16xf32, #tpu.memory_space<vmem>>) offsets(%arg12 : memref<16xi32, #tpu.memory_space<vmem>>) semaphore(%arg19 : memref<!tpu.dma_semaphore, #tpu.memory_space<semaphore_mem>>)
      %dma_wait3A_52 = arith.constant 0 : i32
      %dma_wait3A_53 = tpu.memref_slice %arg3[%dma_wait3A_52] : memref<12800000xf32, #tpu.memory_space<hbm>> -> memref<12800000xf32, #tpu.memory_space<hbm>>
      tpu.wait_indirect_dma semaphore(%arg19 : memref<!tpu.dma_semaphore, #tpu.memory_space<semaphore_mem>>) src(%dma_wait3A_53 : memref<12800000xf32, #tpu.memory_space<hbm>>) dst(%arg16 : memref<16xf32, #tpu.memory_space<vmem>>)
      "tpu.region"() ({
        %run_scoped3A = tpu.sem_alloc : memref<!tpu.dma_semaphore, #tpu.memory_space<semaphore_mem>>
        %dma_start3A_83 = tpu.memref_slice %arg8[%mul3A_4] : memref<128xf32, #tpu.memory_space<hbm>> -> memref<16xf32, #tpu.memory_space<hbm>>
        %dma_start3A_84 = tpu.memref_slice %arg8[%mul3A_4] : memref<128xf32, #tpu.memory_space<hbm>> -> memref<16xf32, #tpu.memory_space<hbm>>
        tpu.enqueue_dma source(%dma_start3A_84 : memref<16xf32, #tpu.memory_space<hbm>>) target(%arg17 : memref<16xf32, #tpu.memory_space<vmem>>) target_semaphore(%run_scoped3A : memref<!tpu.dma_semaphore, #tpu.memory_space<semaphore_mem>>)
        %dma_wait3A_85 = tpu.memref_slice %arg8[%mul3A_4] : memref<128xf32, #tpu.memory_space<hbm>> -> memref<16xf32, #tpu.memory_space<hbm>>
        %dma_wait3A_86 = tpu.memref_slice %arg8[%mul3A_4] : memref<128xf32, #tpu.memory_space<hbm>> -> memref<16xf32, #tpu.memory_space<hbm>>
        tpu.wait_dma2 semaphore(%run_scoped3A : memref<!tpu.dma_semaphore, #tpu.memory_space<semaphore_mem>>) src(%dma_wait3A_86 : memref<16xf32, #tpu.memory_space<hbm>>) dst(%arg17 : memref<16xf32, #tpu.memory_space<vmem>>)
        tpu.yield
      }) : () -> ()
      %get3A_54 = arith.constant 0 : index
      %get3A_55 = tpu.vector_load %arg17[%get3A_54] {strides = array<i32>} : memref<16xf32, #tpu.memory_space<vmem>>, vector<16xf32>,
      %get3A_56 = vector.shape_cast %get3A_55 : vector<16xf32> to vector<16xf32>
      %get3A_57 = arith.constant 0 : index
      %get3A_58 = tpu.vector_load %arg13[%get3A_57] {strides = array<i32>} : memref<16xf32, #tpu.memory_space<vmem>>, vector<16xf32>,
      %get3A_59 = vector.shape_cast %get3A_58 : vector<16xf32> to vector<16xf32>
      %sub3A = arith.subf %get3A_56, %get3A_59 : vector<16xf32>
      %get3A_60 = arith.constant 0 : index
      %get3A_61 = tpu.vector_load %arg15[%get3A_60] {strides = array<i32>} : memref<16xf32, #tpu.memory_space<vmem>>, vector<16xf32>,
      %get3A_62 = vector.shape_cast %get3A_61 : vector<16xf32> to vector<16xf32>
      %sub3A_63 = arith.subf %sub3A, %get3A_62 : vector<16xf32>
      %swap3A_64 = arith.constant 0 : index
      %swap3A_65 = tpu.vector_load %arg18[%swap3A_64] {strides = array<i32>} : memref<16xf32, #tpu.memory_space<vmem>>, vector<16xf32>,
      %swap3A_66 = vector.shape_cast %swap3A_65 : vector<16xf32> to vector<16xf32>
      %swap3A_67 = vector.shape_cast %sub3A_63 : vector<16xf32> to vector<16xf32>
      tpu.vector_store %arg18[%swap3A_64], %swap3A_67 {strides = array<i32>} : memref<16xf32, #tpu.memory_space<vmem>>, vector<16xf32>,
      "tpu.region"() ({
        %run_scoped3A = tpu.sem_alloc : memref<!tpu.dma_semaphore, #tpu.memory_space<semaphore_mem>>
        %dma_start3A_83 = tpu.memref_slice %arg9[%mul3A_4] : memref<128xf32, #tpu.memory_space<hbm>> -> memref<16xf32, #tpu.memory_space<hbm>>
        %dma_start3A_84 = tpu.memref_slice %arg9[%mul3A_4] : memref<128xf32, #tpu.memory_space<hbm>> -> memref<16xf32, #tpu.memory_space<hbm>>
        tpu.enqueue_dma source(%arg18 : memref<16xf32, #tpu.memory_space<vmem>>) target(%dma_start3A_84 : memref<16xf32, #tpu.memory_space<hbm>>) target_semaphore(%run_scoped3A : memref<!tpu.dma_semaphore, #tpu.memory_space<semaphore_mem>>)
        %dma_wait3A_85 = tpu.memref_slice %arg9[%mul3A_4] : memref<128xf32, #tpu.memory_space<hbm>> -> memref<16xf32, #tpu.memory_space<hbm>>
        %dma_wait3A_86 = tpu.memref_slice %arg9[%mul3A_4] : memref<128xf32, #tpu.memory_space<hbm>> -> memref<16xf32, #tpu.memory_space<hbm>>
        tpu.wait_dma2 semaphore(%run_scoped3A : memref<!tpu.dma_semaphore, #tpu.memory_space<semaphore_mem>>) src(%arg18 : memref<16xf32, #tpu.memory_space<vmem>>) dst(%dma_wait3A_86 : memref<16xf32, #tpu.memory_space<hbm>>)
        tpu.yield
      }) : () -> ()
      %get3A_68 = arith.constant 0 : index
      %get3A_69 = tpu.vector_load %arg17[%get3A_68] {strides = array<i32>} : memref<16xf32, #tpu.memory_space<vmem>>, vector<16xf32>,
      %get3A_70 = vector.shape_cast %get3A_69 : vector<16xf32> to vector<16xf32>
      %get3A_71 = arith.constant 0 : index
      %get3A_72 = tpu.vector_load %arg14[%get3A_71] {strides = array<i32>} : memref<16xf32, #tpu.memory_space<vmem>>, vector<16xf32>,
      %get3A_73 = vector.shape_cast %get3A_72 : vector<16xf32> to vector<16xf32>
      %sub3A_74 = arith.subf %get3A_70, %get3A_73 : vector<16xf32>
      %get3A_75 = arith.constant 0 : index
      %get3A_76 = tpu.vector_load %arg16[%get3A_75] {strides = array<i32>} : memref<16xf32, #tpu.memory_space<vmem>>, vector<16xf32>,
      %get3A_77 = vector.shape_cast %get3A_76 : vector<16xf32> to vector<16xf32>
      %sub3A_78 = arith.subf %sub3A_74, %get3A_77 : vector<16xf32>
      %swap3A_79 = arith.constant 0 : index
      %swap3A_80 = tpu.vector_load %arg18[%swap3A_79] {strides = array<i32>} : memref<16xf32, #tpu.memory_space<vmem>>, vector<16xf32>,
      %swap3A_81 = vector.shape_cast %swap3A_80 : vector<16xf32> to vector<16xf32>
      %swap3A_82 = vector.shape_cast %sub3A_78 : vector<16xf32> to vector<16xf32>
      tpu.vector_store %arg18[%swap3A_79], %swap3A_82 {strides = array<i32>} : memref<16xf32, #tpu.memory_space<vmem>>, vector<16xf32>,
      "tpu.region"() ({
        %run_scoped3A = tpu.sem_alloc : memref<!tpu.dma_semaphore, #tpu.memory_space<semaphore_mem>>
        %dma_start3A_83 = tpu.memref_slice %arg10[%mul3A_4] : memref<128xf32, #tpu.memory_space<hbm>> -> memref<16xf32, #tpu.memory_space<hbm>>
        %dma_start3A_84 = tpu.memref_slice %arg10[%mul3A_4] : memref<128xf32, #tpu.memory_space<hbm>> -> memref<16xf32, #tpu.memory_space<hbm>>
        tpu.enqueue_dma source(%arg18 : memref<16xf32, #tpu.memory_space<vmem>>) target(%dma_start3A_84 : memref<16xf32, #tpu.memory_space<hbm>>) target_semaphore(%run_scoped3A : memref<!tpu.dma_semaphore, #tpu.memory_space<semaphore_mem>>)
        %dma_wait3A_85 = tpu.memref_slice %arg10[%mul3A_4] : memref<128xf32, #tpu.memory_space<hbm>> -> memref<16xf32, #tpu.memory_space<hbm>>
        %dma_wait3A_86 = tpu.memref_slice %arg10[%mul3A_4] : memref<128xf32, #tpu.memory_space<hbm>> -> memref<16xf32, #tpu.memory_space<hbm>>
        tpu.wait_dma2 semaphore(%run_scoped3A : memref<!tpu.dma_semaphore, #tpu.memory_space<semaphore_mem>>) src(%arg18 : memref<16xf32, #tpu.memory_space<vmem>>) dst(%dma_wait3A_86 : memref<16xf32, #tpu.memory_space<hbm>>)
        tpu.yield
      }) : () -> ()
    } else {
    }
    return
  }
}

module attributes {stable_mosaic.version = 14 : i64} {
  func.func @_tc_body(%arg0: i32, %arg1: memref<128x4096xf32, #tpu.memory_space<vmem>>, %arg2: memref<128x4096xf32, #tpu.memory_space<vmem>>, %arg3: memref<128x4096xf32, #tpu.memory_space<vmem>>, %arg4: memref<128x4096xf32, #tpu.memory_space<vmem>>, %arg5: memref<128x1xi32, #tpu.memory_space<vmem>>, %arg6: memref<128x1xi32, #tpu.memory_space<vmem>>, %arg7: memref<128x2xf32, #tpu.memory_space<vmem>>, %arg8: memref<128x6xf32, #tpu.memory_space<vmem>>, %arg9: memref<128x2xi32, #tpu.memory_space<vmem>>) attributes {dimension_semantics = [#tpu.dimension_semantics<arbitrary>], iteration_bounds = array<i64: 25>, scalar_prefetch = 0 : i64, scratch_operands = 2 : i64, tpu.core_type = #tpu.core_type<tc>, window_params = [{transform_indices = @transform_0, window_bounds = array<i64: 128, 4096>}, {transform_indices = @transform_1, window_bounds = array<i64: 128, 4096>}, {transform_indices = @transform_2, window_bounds = array<i64: 128, 4096>}, {transform_indices = @transform_3, window_bounds = array<i64: 128, 4096>}, {pipeline_mode = #tpu.pipeline_mode<synchronous>, transform_indices = @transform_4, window_bounds = array<i64: 128, 1>}, {pipeline_mode = #tpu.pipeline_mode<synchronous>, transform_indices = @transform_5, window_bounds = array<i64: 128, 1>}, {pipeline_mode = #tpu.pipeline_mode<synchronous>, transform_indices = @transform_6, window_bounds = array<i64: 128, 2>}]} {
    %eq3A = arith.constant 0 : i32
    %eq3A_0 = arith.cmpi eq, %arg0, %eq3A : i32
    %convert_element_type3A = arith.extui %eq3A_0 : i1 to i32
    %cond3A = arith.constant 0 : i32
    %cond3A_1 = arith.cmpi ne, %convert_element_type3A, %cond3A : i32
    scf.if %cond3A_1 {
      %broadcast_in_dim3A = arith.constant 0.000000e+00 : f32
      %broadcast_in_dim3A_11 = vector.broadcast %broadcast_in_dim3A : f32 to vector<128x6xf32>
      %swap3A = arith.constant 0 : index
      %swap3A_12 = arith.constant 0 : index
      %swap3A_13 = vector.load %arg8[%swap3A, %swap3A_12] : memref<128x6xf32, #tpu.memory_space<vmem>>, vector<128x6xf32>
      tpu.vector_store %arg8[%swap3A, %swap3A_12], %broadcast_in_dim3A_11 {strides = array<i32>} : memref<128x6xf32, #tpu.memory_space<vmem>>, vector<128x6xf32>,
      %broadcast_in_dim3A_14 = arith.constant 0xFF800000 : f32
      %broadcast_in_dim3A_15 = vector.broadcast %broadcast_in_dim3A_14 : f32 to vector<128x1xf32>
      %swap3A_16 = arith.constant 0 : index
      %swap3A_17 = arith.constant 2 : index
      %swap3A_18 = vector.load %arg8[%swap3A_16, %swap3A_17] : memref<128x6xf32, #tpu.memory_space<vmem>>, vector<128x1xf32>
      tpu.vector_store %arg8[%swap3A_16, %swap3A_17], %broadcast_in_dim3A_15 {strides = array<i32>} : memref<128x6xf32, #tpu.memory_space<vmem>>, vector<128x1xf32>,
      %broadcast_in_dim3A_19 = arith.constant 0xFF800000 : f32
      %broadcast_in_dim3A_20 = vector.broadcast %broadcast_in_dim3A_19 : f32 to vector<128x1xf32>
      %swap3A_21 = arith.constant 0 : index
      %swap3A_22 = arith.constant 5 : index
      %swap3A_23 = vector.load %arg8[%swap3A_21, %swap3A_22] : memref<128x6xf32, #tpu.memory_space<vmem>>, vector<128x1xf32>
      tpu.vector_store %arg8[%swap3A_21, %swap3A_22], %broadcast_in_dim3A_20 {strides = array<i32>} : memref<128x6xf32, #tpu.memory_space<vmem>>, vector<128x1xf32>,
    } else {
    }
    %lt3A = arith.constant 24 : i32
    %lt3A_2 = arith.cmpi slt, %arg0, %lt3A : i32
    %convert_element_type3A_3 = arith.extui %lt3A_2 : i1 to i32
    %cond3A_4 = arith.constant 0 : i32
    %cond3A_5 = arith.cmpi ne, %convert_element_type3A_3, %cond3A_4 : i32
    scf.if %cond3A_5 {
      %iota3A = tpu.iota {dimensions = array<i32: 1>} : vector<128x4096xi32>
      %get3A = arith.constant 0 : index
      %get3A_11 = arith.constant 0 : index
      %get3A_12 = vector.load %arg1[%get3A, %get3A_11] : memref<128x4096xf32, #tpu.memory_space<vmem>>, vector<128x4096xf32>
      %exp3A = math.exp %get3A_12 : vector<128x4096xf32>
      %get3A_13 = arith.constant 0 : index
      %get3A_14 = arith.constant 0 : index
      %get3A_15 = vector.load %arg3[%get3A_13, %get3A_14] : memref<128x4096xf32, #tpu.memory_space<vmem>>, vector<128x4096xf32>
      %log3A = math.log %get3A_15 : vector<128x4096xf32>
      %neg3A = arith.constant 0.000000e+00 : f32
      %neg3A_16 = vector.broadcast %neg3A : f32 to vector<128x4096xf32>
      %neg3A_17 = arith.subf %neg3A_16, %log3A : vector<128x4096xf32>
      %log3A_18 = math.log %neg3A_17 : vector<128x4096xf32>
      %sub3A = arith.subf %get3A_12, %log3A_18 : vector<128x4096xf32>
      %get3A_19 = arith.constant 0 : index
      %get3A_20 = arith.constant 0 : index
      %get3A_21 = vector.load %arg8[%get3A_19, %get3A_20] : memref<128x6xf32, #tpu.memory_space<vmem>>, vector<128x1xf32>
      %reduce_sum3A = arith.constant dense<0.000000e+00> : vector<128xf32>
      %reduce_sum3A_22 = vector.multi_reduction <add>, %exp3A, %reduce_sum3A [1] : vector<128x4096xf32> to vector<128xf32>
      %broadcast_in_dim3A = vector.shape_cast %reduce_sum3A_22 : vector<128xf32> to vector<128x1xf32>
      %add3A = arith.addf %get3A_21, %broadcast_in_dim3A : vector<128x1xf32>
      %swap3A = arith.constant 0 : index
      %swap3A_23 = arith.constant 0 : index
      %swap3A_24 = vector.load %arg8[%swap3A, %swap3A_23] : memref<128x6xf32, #tpu.memory_space<vmem>>, vector<128x1xf32>
      tpu.vector_store %arg8[%swap3A, %swap3A_23], %add3A {strides = array<i32>} : memref<128x6xf32, #tpu.memory_space<vmem>>, vector<128x1xf32>,
      %get3A_25 = arith.constant 0 : index
      %get3A_26 = arith.constant 1 : index
      %get3A_27 = vector.load %arg8[%get3A_25, %get3A_26] : memref<128x6xf32, #tpu.memory_space<vmem>>, vector<128x1xf32>
      %mul3A = arith.mulf %exp3A, %get3A_12 : vector<128x4096xf32>
      %reduce_sum3A_28 = arith.constant dense<0.000000e+00> : vector<128xf32>
      %reduce_sum3A_29 = vector.multi_reduction <add>, %mul3A, %reduce_sum3A_28 [1] : vector<128x4096xf32> to vector<128xf32>
      %broadcast_in_dim3A_30 = vector.shape_cast %reduce_sum3A_29 : vector<128xf32> to vector<128x1xf32>
      %add3A_31 = arith.addf %get3A_27, %broadcast_in_dim3A_30 : vector<128x1xf32>
      %swap3A_32 = arith.constant 0 : index
      %swap3A_33 = arith.constant 1 : index
      %swap3A_34 = vector.load %arg8[%swap3A_32, %swap3A_33] : memref<128x6xf32, #tpu.memory_space<vmem>>, vector<128x1xf32>
      tpu.vector_store %arg8[%swap3A_32, %swap3A_33], %add3A_31 {strides = array<i32>} : memref<128x6xf32, #tpu.memory_space<vmem>>, vector<128x1xf32>,
      %reduce_max3A = arith.constant dense<0xFF800000> : vector<128xf32>
      %reduce_max3A_35 = vector.multi_reduction <maximumf>, %sub3A, %reduce_max3A [1] : vector<128x4096xf32> to vector<128xf32>
      %broadcast_in_dim3A_36 = vector.shape_cast %reduce_max3A_35 : vector<128xf32> to vector<128x1xf32>
      %eq3A_37 = vector.broadcast %broadcast_in_dim3A_36 : vector<128x1xf32> to vector<128x4096xf32>
      %eq3A_38 = arith.cmpf oeq, %sub3A, %eq3A_37 : vector<128x4096xf32>
      %jit3A = arith.constant 4096 : i32
      %broadcast_in_dim3A_39 = vector.broadcast %jit3A : i32 to vector<128x4096xi32>
      %select_n3A = arith.select %eq3A_38, %iota3A, %broadcast_in_dim3A_39 : vector<128x4096xi1>, vector<128x4096xi32>
      %reduce_min3A = arith.constant dense<2147483647> : vector<128xi32>
      %reduce_min3A_40 = vector.multi_reduction <minsi>, %select_n3A, %reduce_min3A [1] : vector<128x4096xi32> to vector<128xi32>
      %broadcast_in_dim3A_41 = vector.shape_cast %reduce_min3A_40 : vector<128xi32> to vector<128x1xi32>
      %get3A_42 = arith.constant 0 : index
      %get3A_43 = arith.constant 2 : index
      %get3A_44 = vector.load %arg8[%get3A_42, %get3A_43] : memref<128x6xf32, #tpu.memory_space<vmem>>, vector<128x1xf32>
      %gt3A = arith.cmpf ogt, %broadcast_in_dim3A_36, %get3A_44 : vector<128x1xf32>
      %get3A_45 = arith.constant 0 : index
      %get3A_46 = arith.constant 2 : index
      %get3A_47 = vector.load %arg8[%get3A_45, %get3A_46] : memref<128x6xf32, #tpu.memory_space<vmem>>, vector<128x1xf32>
      %select_n3A_48 = arith.select %gt3A, %broadcast_in_dim3A_36, %get3A_47 : vector<128x1xi1>, vector<128x1xf32>
      %swap3A_49 = arith.constant 0 : index
      %swap3A_50 = arith.constant 2 : index
      %swap3A_51 = vector.load %arg8[%swap3A_49, %swap3A_50] : memref<128x6xf32, #tpu.memory_space<vmem>>, vector<128x1xf32>
      tpu.vector_store %arg8[%swap3A_49, %swap3A_50], %select_n3A_48 {strides = array<i32>} : memref<128x6xf32, #tpu.memory_space<vmem>>, vector<128x1xf32>,
      %mul3A_52 = arith.constant 4096 : i32
      %mul3A_53 = arith.muli %arg0, %mul3A_52 : i32
      %add3A_54 = vector.broadcast %mul3A_53 : i32 to vector<128x1xi32>
      %add3A_55 = arith.addi %broadcast_in_dim3A_41, %add3A_54 : vector<128x1xi32>
      %get3A_56 = arith.constant 0 : index
      %get3A_57 = arith.constant 0 : index
      %get3A_58 = vector.load %arg9[%get3A_56, %get3A_57] : memref<128x2xi32, #tpu.memory_space<vmem>>, vector<128x1xi32>
      %select_n3A_59 = arith.select %gt3A, %add3A_55, %get3A_58 : vector<128x1xi1>, vector<128x1xi32>
      %swap3A_60 = arith.constant 0 : index
      %swap3A_61 = arith.constant 0 : index
      %swap3A_62 = vector.load %arg9[%swap3A_60, %swap3A_61] : memref<128x2xi32, #tpu.memory_space<vmem>>, vector<128x1xi32>
      tpu.vector_store %arg9[%swap3A_60, %swap3A_61], %select_n3A_59 {strides = array<i32>} : memref<128x2xi32, #tpu.memory_space<vmem>>, vector<128x1xi32>,
      %get3A_63 = arith.constant 0 : index
      %get3A_64 = arith.constant 0 : index
      %get3A_65 = vector.load %arg2[%get3A_63, %get3A_64] : memref<128x4096xf32, #tpu.memory_space<vmem>>, vector<128x4096xf32>
      %exp3A_66 = math.exp %get3A_65 : vector<128x4096xf32>
      %get3A_67 = arith.constant 0 : index
      %get3A_68 = arith.constant 0 : index
      %get3A_69 = vector.load %arg4[%get3A_67, %get3A_68] : memref<128x4096xf32, #tpu.memory_space<vmem>>, vector<128x4096xf32>
      %log3A_70 = math.log %get3A_69 : vector<128x4096xf32>
      %neg3A_71 = arith.constant 0.000000e+00 : f32
      %neg3A_72 = vector.broadcast %neg3A_71 : f32 to vector<128x4096xf32>
      %neg3A_73 = arith.subf %neg3A_72, %log3A_70 : vector<128x4096xf32>
      %log3A_74 = math.log %neg3A_73 : vector<128x4096xf32>
      %sub3A_75 = arith.subf %get3A_65, %log3A_74 : vector<128x4096xf32>
      %get3A_76 = arith.constant 0 : index
      %get3A_77 = arith.constant 3 : index
      %get3A_78 = vector.load %arg8[%get3A_76, %get3A_77] : memref<128x6xf32, #tpu.memory_space<vmem>>, vector<128x1xf32>
      %reduce_sum3A_79 = arith.constant dense<0.000000e+00> : vector<128xf32>
      %reduce_sum3A_80 = vector.multi_reduction <add>, %exp3A_66, %reduce_sum3A_79 [1] : vector<128x4096xf32> to vector<128xf32>
      %broadcast_in_dim3A_81 = vector.shape_cast %reduce_sum3A_80 : vector<128xf32> to vector<128x1xf32>
      %add3A_82 = arith.addf %get3A_78, %broadcast_in_dim3A_81 : vector<128x1xf32>
      %swap3A_83 = arith.constant 0 : index
      %swap3A_84 = arith.constant 3 : index
      %swap3A_85 = vector.load %arg8[%swap3A_83, %swap3A_84] : memref<128x6xf32, #tpu.memory_space<vmem>>, vector<128x1xf32>
      tpu.vector_store %arg8[%swap3A_83, %swap3A_84], %add3A_82 {strides = array<i32>} : memref<128x6xf32, #tpu.memory_space<vmem>>, vector<128x1xf32>,
      %get3A_86 = arith.constant 0 : index
      %get3A_87 = arith.constant 4 : index
      %get3A_88 = vector.load %arg8[%get3A_86, %get3A_87] : memref<128x6xf32, #tpu.memory_space<vmem>>, vector<128x1xf32>
      %mul3A_89 = arith.mulf %exp3A_66, %get3A_65 : vector<128x4096xf32>
      %reduce_sum3A_90 = arith.constant dense<0.000000e+00> : vector<128xf32>
      %reduce_sum3A_91 = vector.multi_reduction <add>, %mul3A_89, %reduce_sum3A_90 [1] : vector<128x4096xf32> to vector<128xf32>
      %broadcast_in_dim3A_92 = vector.shape_cast %reduce_sum3A_91 : vector<128xf32> to vector<128x1xf32>
      %add3A_93 = arith.addf %get3A_88, %broadcast_in_dim3A_92 : vector<128x1xf32>
      %swap3A_94 = arith.constant 0 : index
      %swap3A_95 = arith.constant 4 : index
      %swap3A_96 = vector.load %arg8[%swap3A_94, %swap3A_95] : memref<128x6xf32, #tpu.memory_space<vmem>>, vector<128x1xf32>
      tpu.vector_store %arg8[%swap3A_94, %swap3A_95], %add3A_93 {strides = array<i32>} : memref<128x6xf32, #tpu.memory_space<vmem>>, vector<128x1xf32>,
      %reduce_max3A_97 = arith.constant dense<0xFF800000> : vector<128xf32>
      %reduce_max3A_98 = vector.multi_reduction <maximumf>, %sub3A_75, %reduce_max3A_97 [1] : vector<128x4096xf32> to vector<128xf32>
      %broadcast_in_dim3A_99 = vector.shape_cast %reduce_max3A_98 : vector<128xf32> to vector<128x1xf32>
      %eq3A_100 = vector.broadcast %broadcast_in_dim3A_99 : vector<128x1xf32> to vector<128x4096xf32>
      %eq3A_101 = arith.cmpf oeq, %sub3A_75, %eq3A_100 : vector<128x4096xf32>
      %jit3A_102 = arith.constant 4096 : i32
      %broadcast_in_dim3A_103 = vector.broadcast %jit3A_102 : i32 to vector<128x4096xi32>
      %select_n3A_104 = arith.select %eq3A_101, %iota3A, %broadcast_in_dim3A_103 : vector<128x4096xi1>, vector<128x4096xi32>
      %reduce_min3A_105 = arith.constant dense<2147483647> : vector<128xi32>
      %reduce_min3A_106 = vector.multi_reduction <minsi>, %select_n3A_104, %reduce_min3A_105 [1] : vector<128x4096xi32> to vector<128xi32>
      %broadcast_in_dim3A_107 = vector.shape_cast %reduce_min3A_106 : vector<128xi32> to vector<128x1xi32>
      %get3A_108 = arith.constant 0 : index
      %get3A_109 = arith.constant 5 : index
      %get3A_110 = vector.load %arg8[%get3A_108, %get3A_109] : memref<128x6xf32, #tpu.memory_space<vmem>>, vector<128x1xf32>
      %gt3A_111 = arith.cmpf ogt, %broadcast_in_dim3A_99, %get3A_110 : vector<128x1xf32>
      %get3A_112 = arith.constant 0 : index
      %get3A_113 = arith.constant 5 : index
      %get3A_114 = vector.load %arg8[%get3A_112, %get3A_113] : memref<128x6xf32, #tpu.memory_space<vmem>>, vector<128x1xf32>
      %select_n3A_115 = arith.select %gt3A_111, %broadcast_in_dim3A_99, %get3A_114 : vector<128x1xi1>, vector<128x1xf32>
      %swap3A_116 = arith.constant 0 : index
      %swap3A_117 = arith.constant 5 : index
      %swap3A_118 = vector.load %arg8[%swap3A_116, %swap3A_117] : memref<128x6xf32, #tpu.memory_space<vmem>>, vector<128x1xf32>
      tpu.vector_store %arg8[%swap3A_116, %swap3A_117], %select_n3A_115 {strides = array<i32>} : memref<128x6xf32, #tpu.memory_space<vmem>>, vector<128x1xf32>,
      %mul3A_119 = arith.constant 4096 : i32
      %mul3A_120 = arith.muli %arg0, %mul3A_119 : i32
      %add3A_121 = vector.broadcast %mul3A_120 : i32 to vector<128x1xi32>
      %add3A_122 = arith.addi %broadcast_in_dim3A_107, %add3A_121 : vector<128x1xi32>
      %get3A_123 = arith.constant 0 : index
      %get3A_124 = arith.constant 1 : index
      %get3A_125 = vector.load %arg9[%get3A_123, %get3A_124] : memref<128x2xi32, #tpu.memory_space<vmem>>, vector<128x1xi32>
      %select_n3A_126 = arith.select %gt3A_111, %add3A_122, %get3A_125 : vector<128x1xi1>, vector<128x1xi32>
      %swap3A_127 = arith.constant 0 : index
      %swap3A_128 = arith.constant 1 : index
      %swap3A_129 = vector.load %arg9[%swap3A_127, %swap3A_128] : memref<128x2xi32, #tpu.memory_space<vmem>>, vector<128x1xi32>
      tpu.vector_store %arg9[%swap3A_127, %swap3A_128], %select_n3A_126 {strides = array<i32>} : memref<128x2xi32, #tpu.memory_space<vmem>>, vector<128x1xi32>,
    } else {
    }
    %eq3A_6 = arith.constant 24 : i32
    %eq3A_7 = arith.cmpi eq, %arg0, %eq3A_6 : i32
    %convert_element_type3A_8 = arith.extui %eq3A_7 : i1 to i32
    %cond3A_9 = arith.constant 0 : i32
    %cond3A_10 = arith.cmpi ne, %convert_element_type3A_8, %cond3A_9 : i32
    scf.if %cond3A_10 {
      %iota3A = tpu.iota {dimensions = array<i32: 1>} : vector<128x4096xi32>
      %get3A = arith.constant 0 : index
      %get3A_11 = arith.constant 0 : index
      %get3A_12 = vector.load %arg1[%get3A, %get3A_11] : memref<128x4096xf32, #tpu.memory_space<vmem>>, vector<128x4096xf32>
      %exp3A = math.exp %get3A_12 : vector<128x4096xf32>
      %get3A_13 = arith.constant 0 : index
      %get3A_14 = arith.constant 0 : index
      %get3A_15 = vector.load %arg3[%get3A_13, %get3A_14] : memref<128x4096xf32, #tpu.memory_space<vmem>>, vector<128x4096xf32>
      %log3A = math.log %get3A_15 : vector<128x4096xf32>
      %neg3A = arith.constant 0.000000e+00 : f32
      %neg3A_16 = vector.broadcast %neg3A : f32 to vector<128x4096xf32>
      %neg3A_17 = arith.subf %neg3A_16, %log3A : vector<128x4096xf32>
      %log3A_18 = math.log %neg3A_17 : vector<128x4096xf32>
      %sub3A = arith.subf %get3A_12, %log3A_18 : vector<128x4096xf32>
      %mul3A = arith.constant 4096 : i32
      %mul3A_19 = arith.muli %arg0, %mul3A : i32
      %sub3A_20 = arith.constant 100000 : i32
      %sub3A_21 = arith.subi %sub3A_20, %mul3A_19 : i32
      %lt3A_22 = vector.broadcast %sub3A_21 : i32 to vector<128x4096xi32>
      %lt3A_23 = arith.cmpi slt, %iota3A, %lt3A_22 : vector<128x4096xi32>
      %jit3A = arith.constant 0.000000e+00 : f32
      %broadcast_in_dim3A = vector.broadcast %jit3A : f32 to vector<128x4096xf32>
      %select_n3A = arith.select %lt3A_23, %exp3A, %broadcast_in_dim3A : vector<128x4096xi1>, vector<128x4096xf32>
      %jit3A_24 = arith.constant 0xFF800000 : f32
      %broadcast_in_dim3A_25 = vector.broadcast %jit3A_24 : f32 to vector<128x4096xf32>
      %select_n3A_26 = arith.select %lt3A_23, %sub3A, %broadcast_in_dim3A_25 : vector<128x4096xi1>, vector<128x4096xf32>
      %get3A_27 = arith.constant 0 : index
      %get3A_28 = arith.constant 0 : index
      %get3A_29 = vector.load %arg8[%get3A_27, %get3A_28] : memref<128x6xf32, #tpu.memory_space<vmem>>, vector<128x1xf32>
      %reduce_sum3A = arith.constant dense<0.000000e+00> : vector<128xf32>
      %reduce_sum3A_30 = vector.multi_reduction <add>, %select_n3A, %reduce_sum3A [1] : vector<128x4096xf32> to vector<128xf32>
      %broadcast_in_dim3A_31 = vector.shape_cast %reduce_sum3A_30 : vector<128xf32> to vector<128x1xf32>
      %add3A = arith.addf %get3A_29, %broadcast_in_dim3A_31 : vector<128x1xf32>
      %swap3A = arith.constant 0 : index
      %swap3A_32 = arith.constant 0 : index
      %swap3A_33 = vector.load %arg8[%swap3A, %swap3A_32] : memref<128x6xf32, #tpu.memory_space<vmem>>, vector<128x1xf32>
      tpu.vector_store %arg8[%swap3A, %swap3A_32], %add3A {strides = array<i32>} : memref<128x6xf32, #tpu.memory_space<vmem>>, vector<128x1xf32>,
      %get3A_34 = arith.constant 0 : index
      %get3A_35 = arith.constant 1 : index
      %get3A_36 = vector.load %arg8[%get3A_34, %get3A_35] : memref<128x6xf32, #tpu.memory_space<vmem>>, vector<128x1xf32>
      %mul3A_37 = arith.mulf %select_n3A, %get3A_12 : vector<128x4096xf32>
      %reduce_sum3A_38 = arith.constant dense<0.000000e+00> : vector<128xf32>
      %reduce_sum3A_39 = vector.multi_reduction <add>, %mul3A_37, %reduce_sum3A_38 [1] : vector<128x4096xf32> to vector<128xf32>
      %broadcast_in_dim3A_40 = vector.shape_cast %reduce_sum3A_39 : vector<128xf32> to vector<128x1xf32>
      %add3A_41 = arith.addf %get3A_36, %broadcast_in_dim3A_40 : vector<128x1xf32>
      %swap3A_42 = arith.constant 0 : index
      %swap3A_43 = arith.constant 1 : index
      %swap3A_44 = vector.load %arg8[%swap3A_42, %swap3A_43] : memref<128x6xf32, #tpu.memory_space<vmem>>, vector<128x1xf32>
      tpu.vector_store %arg8[%swap3A_42, %swap3A_43], %add3A_41 {strides = array<i32>} : memref<128x6xf32, #tpu.memory_space<vmem>>, vector<128x1xf32>,
      %reduce_max3A = arith.constant dense<0xFF800000> : vector<128xf32>
      %reduce_max3A_45 = vector.multi_reduction <maximumf>, %select_n3A_26, %reduce_max3A [1] : vector<128x4096xf32> to vector<128xf32>
      %broadcast_in_dim3A_46 = vector.shape_cast %reduce_max3A_45 : vector<128xf32> to vector<128x1xf32>
      %eq3A_47 = vector.broadcast %broadcast_in_dim3A_46 : vector<128x1xf32> to vector<128x4096xf32>
      %eq3A_48 = arith.cmpf oeq, %select_n3A_26, %eq3A_47 : vector<128x4096xf32>
      %jit3A_49 = arith.constant 4096 : i32
      %broadcast_in_dim3A_50 = vector.broadcast %jit3A_49 : i32 to vector<128x4096xi32>
      %select_n3A_51 = arith.select %eq3A_48, %iota3A, %broadcast_in_dim3A_50 : vector<128x4096xi1>, vector<128x4096xi32>
      %reduce_min3A = arith.constant dense<2147483647> : vector<128xi32>
      %reduce_min3A_52 = vector.multi_reduction <minsi>, %select_n3A_51, %reduce_min3A [1] : vector<128x4096xi32> to vector<128xi32>
      %broadcast_in_dim3A_53 = vector.shape_cast %reduce_min3A_52 : vector<128xi32> to vector<128x1xi32>
      %get3A_54 = arith.constant 0 : index
      %get3A_55 = arith.constant 2 : index
      %get3A_56 = vector.load %arg8[%get3A_54, %get3A_55] : memref<128x6xf32, #tpu.memory_space<vmem>>, vector<128x1xf32>
      %gt3A = arith.cmpf ogt, %broadcast_in_dim3A_46, %get3A_56 : vector<128x1xf32>
      %get3A_57 = arith.constant 0 : index
      %get3A_58 = arith.constant 2 : index
      %get3A_59 = vector.load %arg8[%get3A_57, %get3A_58] : memref<128x6xf32, #tpu.memory_space<vmem>>, vector<128x1xf32>
      %select_n3A_60 = arith.select %gt3A, %broadcast_in_dim3A_46, %get3A_59 : vector<128x1xi1>, vector<128x1xf32>
      %swap3A_61 = arith.constant 0 : index
      %swap3A_62 = arith.constant 2 : index
      %swap3A_63 = vector.load %arg8[%swap3A_61, %swap3A_62] : memref<128x6xf32, #tpu.memory_space<vmem>>, vector<128x1xf32>
      tpu.vector_store %arg8[%swap3A_61, %swap3A_62], %select_n3A_60 {strides = array<i32>} : memref<128x6xf32, #tpu.memory_space<vmem>>, vector<128x1xf32>,
      %mul3A_64 = arith.constant 4096 : i32
      %mul3A_65 = arith.muli %arg0, %mul3A_64 : i32
      %add3A_66 = vector.broadcast %mul3A_65 : i32 to vector<128x1xi32>
      %add3A_67 = arith.addi %broadcast_in_dim3A_53, %add3A_66 : vector<128x1xi32>
      %get3A_68 = arith.constant 0 : index
      %get3A_69 = arith.constant 0 : index
      %get3A_70 = vector.load %arg9[%get3A_68, %get3A_69] : memref<128x2xi32, #tpu.memory_space<vmem>>, vector<128x1xi32>
      %select_n3A_71 = arith.select %gt3A, %add3A_67, %get3A_70 : vector<128x1xi1>, vector<128x1xi32>
      %swap3A_72 = arith.constant 0 : index
      %swap3A_73 = arith.constant 0 : index
      %swap3A_74 = vector.load %arg9[%swap3A_72, %swap3A_73] : memref<128x2xi32, #tpu.memory_space<vmem>>, vector<128x1xi32>
      tpu.vector_store %arg9[%swap3A_72, %swap3A_73], %select_n3A_71 {strides = array<i32>} : memref<128x2xi32, #tpu.memory_space<vmem>>, vector<128x1xi32>,
      %get3A_75 = arith.constant 0 : index
      %get3A_76 = arith.constant 0 : index
      %get3A_77 = vector.load %arg2[%get3A_75, %get3A_76] : memref<128x4096xf32, #tpu.memory_space<vmem>>, vector<128x4096xf32>
      %exp3A_78 = math.exp %get3A_77 : vector<128x4096xf32>
      %get3A_79 = arith.constant 0 : index
      %get3A_80 = arith.constant 0 : index
      %get3A_81 = vector.load %arg4[%get3A_79, %get3A_80] : memref<128x4096xf32, #tpu.memory_space<vmem>>, vector<128x4096xf32>
      %log3A_82 = math.log %get3A_81 : vector<128x4096xf32>
      %neg3A_83 = arith.constant 0.000000e+00 : f32
      %neg3A_84 = vector.broadcast %neg3A_83 : f32 to vector<128x4096xf32>
      %neg3A_85 = arith.subf %neg3A_84, %log3A_82 : vector<128x4096xf32>
      %log3A_86 = math.log %neg3A_85 : vector<128x4096xf32>
      %sub3A_87 = arith.subf %get3A_77, %log3A_86 : vector<128x4096xf32>
      %mul3A_88 = arith.constant 4096 : i32
      %mul3A_89 = arith.muli %arg0, %mul3A_88 : i32
      %sub3A_90 = arith.constant 100000 : i32
      %sub3A_91 = arith.subi %sub3A_90, %mul3A_89 : i32
      %lt3A_92 = vector.broadcast %sub3A_91 : i32 to vector<128x4096xi32>
      %lt3A_93 = arith.cmpi slt, %iota3A, %lt3A_92 : vector<128x4096xi32>
      %jit3A_94 = arith.constant 0.000000e+00 : f32
      %broadcast_in_dim3A_95 = vector.broadcast %jit3A_94 : f32 to vector<128x4096xf32>
      %select_n3A_96 = arith.select %lt3A_93, %exp3A_78, %broadcast_in_dim3A_95 : vector<128x4096xi1>, vector<128x4096xf32>
      %jit3A_97 = arith.constant 0xFF800000 : f32
      %broadcast_in_dim3A_98 = vector.broadcast %jit3A_97 : f32 to vector<128x4096xf32>
      %select_n3A_99 = arith.select %lt3A_93, %sub3A_87, %broadcast_in_dim3A_98 : vector<128x4096xi1>, vector<128x4096xf32>
      %get3A_100 = arith.constant 0 : index
      %get3A_101 = arith.constant 3 : index
      %get3A_102 = vector.load %arg8[%get3A_100, %get3A_101] : memref<128x6xf32, #tpu.memory_space<vmem>>, vector<128x1xf32>
      %reduce_sum3A_103 = arith.constant dense<0.000000e+00> : vector<128xf32>
      %reduce_sum3A_104 = vector.multi_reduction <add>, %select_n3A_96, %reduce_sum3A_103 [1] : vector<128x4096xf32> to vector<128xf32>
      %broadcast_in_dim3A_105 = vector.shape_cast %reduce_sum3A_104 : vector<128xf32> to vector<128x1xf32>
      %add3A_106 = arith.addf %get3A_102, %broadcast_in_dim3A_105 : vector<128x1xf32>
      %swap3A_107 = arith.constant 0 : index
      %swap3A_108 = arith.constant 3 : index
      %swap3A_109 = vector.load %arg8[%swap3A_107, %swap3A_108] : memref<128x6xf32, #tpu.memory_space<vmem>>, vector<128x1xf32>
      tpu.vector_store %arg8[%swap3A_107, %swap3A_108], %add3A_106 {strides = array<i32>} : memref<128x6xf32, #tpu.memory_space<vmem>>, vector<128x1xf32>,
      %get3A_110 = arith.constant 0 : index
      %get3A_111 = arith.constant 4 : index
      %get3A_112 = vector.load %arg8[%get3A_110, %get3A_111] : memref<128x6xf32, #tpu.memory_space<vmem>>, vector<128x1xf32>
      %mul3A_113 = arith.mulf %select_n3A_96, %get3A_77 : vector<128x4096xf32>
      %reduce_sum3A_114 = arith.constant dense<0.000000e+00> : vector<128xf32>
      %reduce_sum3A_115 = vector.multi_reduction <add>, %mul3A_113, %reduce_sum3A_114 [1] : vector<128x4096xf32> to vector<128xf32>
      %broadcast_in_dim3A_116 = vector.shape_cast %reduce_sum3A_115 : vector<128xf32> to vector<128x1xf32>
      %add3A_117 = arith.addf %get3A_112, %broadcast_in_dim3A_116 : vector<128x1xf32>
      %swap3A_118 = arith.constant 0 : index
      %swap3A_119 = arith.constant 4 : index
      %swap3A_120 = vector.load %arg8[%swap3A_118, %swap3A_119] : memref<128x6xf32, #tpu.memory_space<vmem>>, vector<128x1xf32>
      tpu.vector_store %arg8[%swap3A_118, %swap3A_119], %add3A_117 {strides = array<i32>} : memref<128x6xf32, #tpu.memory_space<vmem>>, vector<128x1xf32>,
      %reduce_max3A_121 = arith.constant dense<0xFF800000> : vector<128xf32>
      %reduce_max3A_122 = vector.multi_reduction <maximumf>, %select_n3A_99, %reduce_max3A_121 [1] : vector<128x4096xf32> to vector<128xf32>
      %broadcast_in_dim3A_123 = vector.shape_cast %reduce_max3A_122 : vector<128xf32> to vector<128x1xf32>
      %eq3A_124 = vector.broadcast %broadcast_in_dim3A_123 : vector<128x1xf32> to vector<128x4096xf32>
      %eq3A_125 = arith.cmpf oeq, %select_n3A_99, %eq3A_124 : vector<128x4096xf32>
      %jit3A_126 = arith.constant 4096 : i32
      %broadcast_in_dim3A_127 = vector.broadcast %jit3A_126 : i32 to vector<128x4096xi32>
      %select_n3A_128 = arith.select %eq3A_125, %iota3A, %broadcast_in_dim3A_127 : vector<128x4096xi1>, vector<128x4096xi32>
      %reduce_min3A_129 = arith.constant dense<2147483647> : vector<128xi32>
      %reduce_min3A_130 = vector.multi_reduction <minsi>, %select_n3A_128, %reduce_min3A_129 [1] : vector<128x4096xi32> to vector<128xi32>
      %broadcast_in_dim3A_131 = vector.shape_cast %reduce_min3A_130 : vector<128xi32> to vector<128x1xi32>
      %get3A_132 = arith.constant 0 : index
      %get3A_133 = arith.constant 5 : index
      %get3A_134 = vector.load %arg8[%get3A_132, %get3A_133] : memref<128x6xf32, #tpu.memory_space<vmem>>, vector<128x1xf32>
      %gt3A_135 = arith.cmpf ogt, %broadcast_in_dim3A_123, %get3A_134 : vector<128x1xf32>
      %get3A_136 = arith.constant 0 : index
      %get3A_137 = arith.constant 5 : index
      %get3A_138 = vector.load %arg8[%get3A_136, %get3A_137] : memref<128x6xf32, #tpu.memory_space<vmem>>, vector<128x1xf32>
      %select_n3A_139 = arith.select %gt3A_135, %broadcast_in_dim3A_123, %get3A_138 : vector<128x1xi1>, vector<128x1xf32>
      %swap3A_140 = arith.constant 0 : index
      %swap3A_141 = arith.constant 5 : index
      %swap3A_142 = vector.load %arg8[%swap3A_140, %swap3A_141] : memref<128x6xf32, #tpu.memory_space<vmem>>, vector<128x1xf32>
      tpu.vector_store %arg8[%swap3A_140, %swap3A_141], %select_n3A_139 {strides = array<i32>} : memref<128x6xf32, #tpu.memory_space<vmem>>, vector<128x1xf32>,
      %mul3A_143 = arith.constant 4096 : i32
      %mul3A_144 = arith.muli %arg0, %mul3A_143 : i32
      %add3A_145 = vector.broadcast %mul3A_144 : i32 to vector<128x1xi32>
      %add3A_146 = arith.addi %broadcast_in_dim3A_131, %add3A_145 : vector<128x1xi32>
      %get3A_147 = arith.constant 0 : index
      %get3A_148 = arith.constant 1 : index
      %get3A_149 = vector.load %arg9[%get3A_147, %get3A_148] : memref<128x2xi32, #tpu.memory_space<vmem>>, vector<128x1xi32>
      %select_n3A_150 = arith.select %gt3A_135, %add3A_146, %get3A_149 : vector<128x1xi1>, vector<128x1xi32>
      %swap3A_151 = arith.constant 0 : index
      %swap3A_152 = arith.constant 1 : index
      %swap3A_153 = vector.load %arg9[%swap3A_151, %swap3A_152] : memref<128x2xi32, #tpu.memory_space<vmem>>, vector<128x1xi32>
      tpu.vector_store %arg9[%swap3A_151, %swap3A_152], %select_n3A_150 {strides = array<i32>} : memref<128x2xi32, #tpu.memory_space<vmem>>, vector<128x1xi32>,
      %get3A_154 = arith.constant 0 : index
      %get3A_155 = arith.constant 0 : index
      %get3A_156 = vector.load %arg8[%get3A_154, %get3A_155] : memref<128x6xf32, #tpu.memory_space<vmem>>, vector<128x6xf32>
      %slice3A = vector.extract_strided_slice %get3A_156 {offsets = [0, 0], sizes = [128, 1], strides = [1, 1]} : vector<128x6xf32> to vector<128x1xf32>
      %log3A_157 = math.log %slice3A : vector<128x1xf32>
      %slice3A_158 = vector.extract_strided_slice %get3A_156 {offsets = [0, 3], sizes = [128, 1], strides = [1, 1]} : vector<128x6xf32> to vector<128x1xf32>
      %log3A_159 = math.log %slice3A_158 : vector<128x1xf32>
      %add3A_160 = arith.addf %log3A_157, %log3A_159 : vector<128x1xf32>
      %get3A_161 = arith.constant 0 : index
      %get3A_162 = arith.constant 0 : index
      %get3A_163 = vector.load %arg9[%get3A_161, %get3A_162] : memref<128x2xi32, #tpu.memory_space<vmem>>, vector<128x1xi32>
      %swap3A_164 = arith.constant 0 : index
      %swap3A_165 = arith.constant 0 : index
      %swap3A_166 = vector.load %arg5[%swap3A_164, %swap3A_165] : memref<128x1xi32, #tpu.memory_space<vmem>>, vector<128x1xi32>
      tpu.vector_store %arg5[%swap3A_164, %swap3A_165], %get3A_163 {strides = array<i32>} : memref<128x1xi32, #tpu.memory_space<vmem>>, vector<128x1xi32>,
      %get3A_167 = arith.constant 0 : index
      %get3A_168 = arith.constant 1 : index
      %get3A_169 = vector.load %arg9[%get3A_167, %get3A_168] : memref<128x2xi32, #tpu.memory_space<vmem>>, vector<128x1xi32>
      %swap3A_170 = arith.constant 0 : index
      %swap3A_171 = arith.constant 0 : index
      %swap3A_172 = vector.load %arg6[%swap3A_170, %swap3A_171] : memref<128x1xi32, #tpu.memory_space<vmem>>, vector<128x1xi32>
      tpu.vector_store %arg6[%swap3A_170, %swap3A_171], %get3A_169 {strides = array<i32>} : memref<128x1xi32, #tpu.memory_space<vmem>>, vector<128x1xi32>,
      %swap3A_173 = arith.constant 0 : index
      %swap3A_174 = arith.constant 0 : index
      %swap3A_175 = vector.load %arg7[%swap3A_173, %swap3A_174] : memref<128x2xf32, #tpu.memory_space<vmem>>, vector<128x1xf32>
      tpu.vector_store %arg7[%swap3A_173, %swap3A_174], %add3A_160 {strides = array<i32>} : memref<128x2xf32, #tpu.memory_space<vmem>>, vector<128x1xf32>,
      %slice3A_176 = vector.extract_strided_slice %get3A_156 {offsets = [0, 1], sizes = [128, 1], strides = [1, 1]} : vector<128x6xf32> to vector<128x1xf32>
      %slice3A_177 = vector.extract_strided_slice %get3A_156 {offsets = [0, 0], sizes = [128, 1], strides = [1, 1]} : vector<128x6xf32> to vector<128x1xf32>
      %div3A = arith.divf %slice3A_176, %slice3A_177 : vector<128x1xf32>
      %sub3A_178 = arith.subf %add3A_160, %div3A : vector<128x1xf32>
      %slice3A_179 = vector.extract_strided_slice %get3A_156 {offsets = [0, 4], sizes = [128, 1], strides = [1, 1]} : vector<128x6xf32> to vector<128x1xf32>
      %slice3A_180 = vector.extract_strided_slice %get3A_156 {offsets = [0, 3], sizes = [128, 1], strides = [1, 1]} : vector<128x6xf32> to vector<128x1xf32>
      %div3A_181 = arith.divf %slice3A_179, %slice3A_180 : vector<128x1xf32>
      %sub3A_182 = arith.subf %sub3A_178, %div3A_181 : vector<128x1xf32>
      %swap3A_183 = arith.constant 0 : index
      %swap3A_184 = arith.constant 1 : index
      %swap3A_185 = vector.load %arg7[%swap3A_183, %swap3A_184] : memref<128x2xf32, #tpu.memory_space<vmem>>, vector<128x1xf32>
      tpu.vector_store %arg7[%swap3A_183, %swap3A_184], %sub3A_182 {strides = array<i32>} : memref<128x2xf32, #tpu.memory_space<vmem>>, vector<128x1xf32>,
    } else {
    }
    return
  }
  func.func @transform_0(%arg0: i32) -> (i32, i32) {
    %c0_i32 = arith.constant 0 : i32
    %c0_i32_0 = arith.constant 0 : i32
    return %c0_i32, %arg0 : i32, i32
  }
  func.func @transform_1(%arg0: i32) -> (i32, i32) {
    %c0_i32 = arith.constant 0 : i32
    %c0_i32_0 = arith.constant 0 : i32
    return %c0_i32, %arg0 : i32, i32
  }
  func.func @transform_2(%arg0: i32) -> (i32, i32) {
    %c0_i32 = arith.constant 0 : i32
    %c0_i32_0 = arith.constant 0 : i32
    return %c0_i32, %arg0 : i32, i32
  }
  func.func @transform_3(%arg0: i32) -> (i32, i32) {
    %c0_i32 = arith.constant 0 : i32
    %c0_i32_0 = arith.constant 0 : i32
    return %c0_i32, %arg0 : i32, i32
  }
  func.func @transform_4(%arg0: i32) -> (i32, i32) {
    %c0_i32 = arith.constant 0 : i32
    %c0_i32_0 = arith.constant 0 : i32
    %c0_i32_1 = arith.constant 0 : i32
    return %c0_i32, %c0_i32_0 : i32, i32
  }
  func.func @transform_5(%arg0: i32) -> (i32, i32) {
    %c0_i32 = arith.constant 0 : i32
    %c0_i32_0 = arith.constant 0 : i32
    %c0_i32_1 = arith.constant 0 : i32
    return %c0_i32, %c0_i32_0 : i32, i32
  }
  func.func @transform_6(%arg0: i32) -> (i32, i32) {
    %c0_i32 = arith.constant 0 : i32
    %c0_i32_0 = arith.constant 0 : i32
    %c0_i32_1 = arith.constant 0 : i32
    return %c0_i32, %c0_i32_0 : i32, i32
  }
}

</mosaic_0001>

<sc_bundles>
// kernel: kernel.4.cloned.1.call-start
scs
__scs_entry_jumppad:
0x0: {  	(pc) =	sbr.rel $0x88, $3  }
0x1: {  	(tag) =	ssettag $0x0;
	lr =	simm.s32 $0x1  }
0x2: {  	[smem:$0x3F9C] =	sst lr;
	_ =	strace $0xD0000000  }
0x3: {  	_ = 	snop  }
0x4: {  	_ = 	snop  }
0x5: {  	_ = 	snop  }
0x6: {  	_ = 	snop  }
0x7: {  	_ = 	snop  }
__scs_overlays_trampoline_lowered:
0x8: {  	[smem:$0x3FAB] =	sst s0  }
0x9: {  	[smem:$0x3FAC] =	sst s1  }
0xa: {  	[smem:$0x3FAD] =	sst s2  }
0xb: {  	[smem:$0x3FAE] =	sst s3  }
0xc: {  	[smem:$0x3FAF] =	sst s4  }
0xd: {  	[smem:$0x3FB0] =	sst s5  }
0xe: {  	[smem:$0x3FB1] =	sst s6  }
0xf: {  	[smem:$0x3FB2] =	sst s7  }
0x10: {  	[smem:$0x3FB3] =	sst s8  }
0x11: {  	[smem:$0x3FB4] =	sst s9;
	s0 =	simm.s32 @!p0 $0x0  }
0x12: {  	s1 =	sld [smem:$0x3F9A];
	s0 =	simm.s32 @p0 $0x1  }
0x13: {  	[smem:$0x3FB5] =	sst s0;
	s0 =	simm.s32 @!p1 $0x0  }
0x14: {  	s2 =	sld [smem:$0x3F99];
	s0 =	simm.s32 @p1 $0x1  }
0x15: {  	[smem:$0x3FB6] =	sst s0;
	s0 =	simm.s32 @!p2 $0x0  }
0x16: {  	s3 =	sld [smem:$0x3FDB];
	s0 =	simm.s32 @p2 $0x1  }
0x17: {  	s4 =	simm.s32 $0x1BF5;
	[smem:$0x3FB8] =	sst s0  }
0x18: {  	s0 =	sld [smem:$0x3F9B];
	_ =	swait.ge [sflag:s4], $0x0  }
0x19: {  	s7 =	sld [smem:$0x3F9C]  }
0x1a: {  	s8 =	sadd.s32 $0xFFFFE003, lr  }
0x1b: {  	s9 =	sadd.s32 $0xFFFFFEF7, lr;
	s5 =	simm.s32 $0xFFFFFFFF;
	p2 =	slt.u32 s8, $0xFFFFF086  }
0x1c: {  	p1 =	slt.u32 s9, $0xF7A;
	s5 =	simm.s32 @!p2 $0x0  }
0x1d: {  	s5 =	simm.s32 @p1 $0x1;
	p0 =	seq.s32 s7, s2  }
0x1e: {  	s7 =	smul.u32 @!p0 $0xF7A, s2;
	p2 =	seq.s32 @!p0 s5, $0x0  }
0x1f: {  	s9 =	smul.u32 $0xF7A, s1;
	s8 =	simm.s32 @!p0 $0x1BF5;
	p2 =	por !p2, p0  }
0x20: {  	[sflag:s8] =	ssyncset.s32 @!p0 $0xFFFFF086;
	s6 =	sadd.s32 @!p0 s3, s7;
	s7 =	simm.s32 @!p0 $0x108  }
0x21: {  	s3 =	sadd.s32 s3, s9;
	s6 =	sadd.s32 @!p0 $0x88, s6;
	s7 =	simm.s32 @p2 $0x1082  }
0x22: {  	[simem:s7], [sflag:s8] =	dma.local @!p0 [hbm:s6], $0xF7A  }
0x23: {  	s9 =	sor.u32 $0xD0000000, s2;
	s6 =	simm.s32 $0x108;
	_ =	swait.ge @!p0 [sflag:s8], $0x0  }
0x24: {  	s3 =	sadd.s32 $0x88, s3;
	s6 =	simm.s32 @!p1 $0x1082;
	[sflag:s4] =	ssyncset.s32 $0xFFFFF086  }
0x25: {  	[simem:s6], [sflag:s4] =	dma.local [hbm:s3], $0xF7A  }
0x26: {  	[smem:$0x3F9C] =	sst s1;
	(tag) =	ssettag s2;
	_ =	strace s9  }
0x27: {  	s1 =	sld [smem:$0x3FAC]  }
0x28: {  	s2 =	sld [smem:$0x3FAD]  }
0x29: {  	s4 =	sld [smem:$0x3FAF]  }
0x2a: {  	p0 =	seq.s32 s5, $0x0;
	s5 =	sld [smem:$0x3FB0]  }
0x2b: {  	s6 =	sld [smem:$0x3FB1]  }
0x2c: {  	s7 =	sld [smem:$0x3FB2]  }
0x2d: {  	s3 =	simm.s32 $0x108;
	s8 =	sld [smem:$0x3FB3]  }
0x2e: {  	s3 =	simm.s32 @!p0 $0x1082;
	s9 =	sld [smem:$0x3FB4]  }
0x2f: {  	lr =	sadd.s32 s0, s3;
	s0 =	sld [smem:$0x3FAB]  }
0x30: {  	s3 =	sld [smem:$0x3FAE]  }
0x31: {  	[smem:$0x3FB7] =	sst s10  }
0x32: {  	s10 =	sld [smem:$0x3FB5];
	_ =	sdelay $0x3  }
0x33: {  	p0 =	seq.s32 s10, $0x1;
	s10 =	sld [smem:$0x3FB7];
	_ =	sdelay $0x3  }
0x34: {  	[smem:$0x3FB7] =	sst s10  }
0x35: {  	s10 =	sld [smem:$0x3FB6];
	_ =	sdelay $0x3  }
0x36: {  	p1 =	seq.s32 s10, $0x1;
	s10 =	sld [smem:$0x3FB7];
	_ =	sdelay $0x3  }
0x37: {  	[smem:$0x3FB7] =	sst s10  }
0x38: {  	s10 =	sld [smem:$0x3FB8]  }
0x39: {  	_ = 	snop;
	(pc) =	sbr.ind lr, $3  }
0x3a: {  	_ = 	snop  }
0x3b: {  	_ = 	snop  }
0x3c: {  	p2 =	seq.s32 s10, $0x1;
	s10 =	sld [smem:$0x3FB7]  }
0x3d: {  	_ =	shalt  }
0x3e: {  	_ =	shalt  }
0x3f: {  	_ =	shalt  }
0x40: {  	_ =	shalt  }
0x41: {  	_ =	shalt  }
0x42: {  	_ =	shalt  }
0x43: {  	_ =	shalt  }
0x44: {  	_ =	shalt  }
0x45: {  	_ =	shalt  }
0x46: {  	_ =	shalt  }
0x47: {  	_ =	shalt  }
0x48: {  	_ =	shalt  }
0x49: {  	_ =	shalt  }
0x4a: {  	_ =	shalt  }
0x4b: {  	_ =	shalt  }
0x4c: {  	_ =	shalt  }
0x4d: {  	_ =	shalt  }
0x4e: {  	_ =	shalt  }
0x4f: {  	_ =	shalt  }
0x50: {  	_ =	shalt  }
0x51: {  	_ =	shalt  }
0x52: {  	_ =	shalt  }
0x53: {  	_ =	shalt  }
0x54: {  	_ =	shalt  }
0x55: {  	_ =	shalt  }
0x56: {  	_ =	shalt  }
0x57: {  	_ =	shalt  }
0x58: {  	_ =	shalt  }
0x59: {  	_ =	shalt  }
0x5a: {  	_ =	shalt  }
0x5b: {  	_ =	shalt  }
0x5c: {  	_ =	shalt  }
0x5d: {  	_ =	shalt  }
0x5e: {  	_ =	shalt  }
0x5f: {  	_ =	shalt  }
0x60: {  	_ =	shalt  }
0x61: {  	_ =	shalt  }
0x62: {  	_ =	shalt  }
0x63: {  	_ =	shalt  }
0x64: {  	_ =	shalt  }
0x65: {  	_ =	shalt  }
0x66: {  	_ =	shalt  }
0x67: {  	_ =	shalt  }
0x68: {  	_ =	shalt  }
0x69: {  	_ =	shalt  }
0x6a: {  	_ =	shalt  }
0x6b: {  	_ =	shalt  }
0x6c: {  	_ =	shalt  }
0x6d: {  	_ =	shalt  }
0x6e: {  	_ =	shalt  }
0x6f: {  	_ =	shalt  }
0x70: {  	_ =	shalt  }
0x71: {  	_ =	shalt  }
0x72: {  	_ =	shalt  }
0x73: {  	_ =	shalt  }
0x74: {  	_ =	shalt  }
0x75: {  	_ =	shalt  }
0x76: {  	_ =	shalt  }
0x77: {  	_ =	shalt  }
0x78: {  	_ =	shalt  }
0x79: {  	_ =	shalt  }
0x7a: {  	_ =	shalt  }
0x7b: {  	_ =	shalt  }
0x7c: {  	_ =	shalt  }
0x7d: {  	_ =	shalt  }
0x7e: {  	_ =	shalt  }
0x7f: {  	_ =	shalt  }
0x80: {  	_ =	shalt  }
0x81: {  	_ =	shalt  }
0x82: {  	_ =	shalt  }
0x83: {  	_ =	shalt  }
0x84: {  	_ =	shalt  }
0x85: {  	_ =	shalt  }
0x86: {  	_ =	shalt  }
0x87: {  	_ =	shalt  }
.Lfunc_end0:
.L_simem_size_0:
called_computation_lowered:
.L_overlay_start_0:
0x88: {  	s2 =	sld [smem:$0x3FD9]  }
0x89: {  	s3 =	sld [smem:$0x3FFE];
	_ =	sdelay $0x1  }
0x8a: {  	s1 =	srdreg.scid  }
0x8b: {  	s0 =	sand.u32 $0x1, s1  }
0x8c: {  	s14 =	sshll.u32 s0, $0xA;
	s2 =	sadd.s32 s3, s2  }
0x8d: {  	s2 =	sadd.s32 s2, s14  }
0x8e: {  	[smem:$0x3FC3] =	sst s2  }
0x8f: {  	_ = 	snop  }
0x90: {  	s2 =	sld [smem:$0x3FD0];
	_ =	sdelay $0x2  }
0x91: {  	s15 =	simm.s32 $0xA;
	s4 =	simm.s32 $0x10  }
0x92: {  	[smem:s4], [sflag:s15] =	dma.local [hbm:s2], $0x1  }
0x93: {  	_ =	swait.eq [sflag:s15], $0x1  }
0x94: {  	[sflag:s15] =	ssyncset.done $0x0  }
0x95: {  	s16 =	sld [smem:$0x11];
	[sflag:s15] =	ssyncadd.s32 $0xFFFFFFFF  }
0x96: {  	s17 =	sld [smem:$0x12];
	(tm) =	ssettm $0x1  }
0x97: {  	s18 =	sld [smem:$0x3FFB];
	_ =	sdelay $0x3  }
0x98: {  	_ =	strace s18  }
0x99: {  	s4 =	sld [smem:$0x3FFC];
	_ =	sdelay $0x3  }
0x9a: {  	_ =	strace s4  }
0x9b: {  	s4 =	sld [smem:$0x3FFD];
	_ =	sdelay $0x3  }
0x9c: {  	_ =	strace s4  }
0x9d: {  	_ =	strace $0x8FFFFFFF  }
0x9e: {  	s19 =	sld [smem:$0x3FDB];
	_ =	sdelay $0x1  }
0x9f: {  	s5 =	simm.s32 $_scs_section_size  }
0xa0: {  	s6 =	simm.s32 $_size__tile_overlayer_lowered;
	s7 =	simm.s32 $_tile_overlayer_lowered  }
0xa1: {  	s22 =	simm.s32 $0x1BFF;
	s21 =	sshll.u32 s7, $0x1;
	s4 =	sadd.s32 s5, s19  }
0xa2: {  	s8 =	simm.s32 $0x0;
	s20 =	sshll.u32 s6, $0x1;
	s6 =	sadd.s32 s21, s4  }
0xa3: {  	[timem:s8], [sflag:s22] =	dma.local [hbm:s6], s20  }
0xa4: {  	_ =	swait.ge [sflag:s22], s20  }
0xa5: {  	s5 =	ssub.s32 $0x0, s20;
	[sflag:s22] =	ssyncset.done $0x0  }
0xa6: {  	[sflag:s22] =	ssyncadd.s32 s5;
	_ =	sdelay $0x1  }
0xa7: {  	s23 =	simm.s32 $0x1B8B  }
0xa8: {  	_ =	swait.ge [sflag:s23], $0x1  }
0xa9: {  	[sflag:s23] =	ssyncset.done $0x0  }
0xaa: {  	s25 =	simm.s32 $0x1B8E;
	s24 =	sld [smem:$0x3FFE];
	[sflag:s23] =	ssyncadd.s32 $0xFFFFFFFF  }
0xab: {  	s26 =	simm.s32 $execute0_lowered;
	[smem:$0x3FD2] =	sst s25  }
0xac: {  	s6 =	sshll.u32 s26, $0x1;
	_ =	strace $0x80000046;
	[dreg:$0x1] =	wrdreg $0xFFFFFFFF  }
0xad: {  	s28 =	simm.s32 $_size_execute0_lowered;
	s4 =	sadd.s32 s4, s6;
	[dreg:$0x0] =	wrdreg $0x0  }
0xae: {  	s6 =	sshll.u32 s28, $0x1;
	[dreg:$0x2] =	wrdreg s4  }
0xaf: {  	[dreg:$0x3] =	wrdreg s6  }
0xb0: {  	[dreg:$0x4] =	wrdreg $0xC0  }
0xb1: {  	_ =	task [dreg:s8], $0x5FFFF  }
0xb2: {  	[dreg:$0x1] =	wrdreg $0xFFFFFFFF  }
0xb3: {  	[dreg:$0x0] =	wrdreg $0x60  }
0xb4: {  	[dreg:$0x2] =	wrdreg s24  }
0xb5: {  	[dreg:$0x3] =	wrdreg s16  }
0xb6: {  	[dreg:$0x4] =	wrdreg s17  }
0xb7: {  	[dreg:$0x5] =	wrdreg $0x9  }
0xb8: {  	_ =	task.clear_ibuf [dreg:s8], $0x6FFFF;
	_ =	strace $0x90000046  }
0xb9: {  	s29 =	simm.s32 $0x9;
	_ =	strace $0x80000048  }
0xba: {  	_ =	swait.ge [sflag:s29], $0x1  }
0xbb: {  	[sflag:s29] =	ssyncadd.s32 $0xFFFFFFFF  }
0xbc: {  	_ =	strace $0x90000048  }
0xbd: {  	_ =	sfence  }
0xbe: {  	s30 =	sld [smem:$0x0];
	_ =	sdelay $0x2  }
0xbf: {  	s31 =	sshll.u32 s1, $0xD;
	s1 =	sshrl.u32 s1, $0x2  }
0xc0: {  	s3 =	sand.u32 $0x4000, s31;
	s1 =	sadd.s32 s1, s30  }
0xc1: {  	s0 =	sor.u32 s3, s0;
	s1 =	sshll.u32 s1, $0x11  }
0xc2: {  	s0 =	sor.u32 s1, s0  }
0xc3: {  	s0 =	sadd.s32 $0x8F2B, s0  }
0xc4: {  	[sflag:s0] =	ssyncadd.remote.s32 $0x1  }
0xc5: {  	_ =	sfence.sel $0xFFFF  }
0xc6: {  	[dreg:$0x0] =	wrdreg $0xFFFFFFFF;
	(pc) =	sbr.abs _section_cstart, $3  }
0xc7: {  	[dreg:$0x1] =	wrdreg $0xFFFFFFFF  }
0xc8: {  	_ =	task.clear_ibuf [dreg:s8], $0x2FFFF;
	_ =	strace $0x9FFFFFFF  }
0xc9: {  	(tm) =	ssettm $0x7FFFFFFF  }
tec
execute0_lowered:
.L_overlay_start_1:
0x0: {  	(tag) =	ssettag $0x1  }
0x1: {  	s1 =	stileid.u32  }
0x2: {  	p0 =	sgt.u32 s1, $0x3  }
.Ltmp0:
0x3: {  	s14 =	rddreg [dreg:$0x0];
	(pc) =	sbr.rel @p0 .LBB2_4-.Ltmp0, $4  }
0x4: {  	s19 =	rddreg [dreg:$0x1]  }
0x5: {  	s21 =	rddreg [dreg:$0x2];
	s2 =	simm.s32 $0x0  }
0x6: {  	[smem:$0x7FF] =	sst s2  }
0x7: {  	s0 =	rddreg [dreg:$0x3];
	_ =	strace $0x80000047  }
0x8: {  	s3 =	srdreg.scid  }
0x9: {  	s30 =	sshll.u32 s1, $0x1;
	s23 =	sand.u32 $0x1, s3  }
0xa: {  	s5 =	sor.u32 s23, s30  }
0xb: {  	s31 =	sadd.s32 $0x200, s14;
	s22 =	sshll.u32 s5, $0x1  }
0xc: {  	s3 =	simm.s32 $0x2;
	s4 =	sadd.s32 s31, s22  }
0xd: {  	[tilespmem:s2], [sflag:$0x2] =	stream.linear.gather [hbm4b:s4+s2], $0x10, $0x38;
	[tilespmem:$0x400] =	vst v63  }
0xe: {  	_ =	swait.ge [sflag:s3], $0x10  }
0xf: {  	s5 =	sshll.u32 s5, $0x4;
	[sflag:s3] =	ssyncset.done $0x0  }
0x10: {  	v0 =	vmov s5;
	[sflag:s3] =	ssyncadd.s32 $0xFFFFFFF0  }
0x11: {  	v0 =	vmul.u32 $0x186A0, v0;
	v1 =	vld [tilespmem:$0x0]  }
0x12: {  	v2 =	vlaneseq.u32  }
0x13: {  	v2 =	vmul.u32 $0x186A0, v2;
	v0 =	vbroadcast v0, $0x0;
	_ =	sdelay $0x1  }
0x14: {  	v0 =	vadd.s32 v2, v0  }
0x15: {  	s6 =	simm.s32 $0x10;
	s7 =	simm.s32 $0x80;
	v1 =	vadd.s32 v0, v1  }
0x16: {  	s8 =	simm.s32 $0x100;
	s9 =	simm.s32 $0x1;
	s5 =	sadd.s32 $0x61C000, s14;
	[tilespmem:$0x80] =	vst v1  }
0x17: {  	[tilespmem:s8], [sflag:$0x1] =	stream.indirect.gather [hbm4b:s5+s6], $0x1, s7, s6, $0xb8;
	[tilespmem:$0x400] =	vst v63  }
0x18: {  	_ =	swait.ge [sflag:s9], $0x10  }
0x19: {  	s10 =	sadd.s32 s14, s22;
	[sflag:s9] =	ssyncset.done $0x0  }
0x1a: {  	s11 =	sadd.s32 $0x800, s10;
	[sflag:s9] =	ssyncadd.s32 $0xFFFFFFF0  }
0x1b: {  	[tilespmem:s2], [sflag:$0x2] =	stream.linear.gather [hbm4b:s11+s2], $0x10, $0x38;
	[tilespmem:$0x400] =	vst v63  }
0x1c: {  	_ =	swait.ge [sflag:s3], $0x10  }
0x1d: {  	[sflag:s3] =	ssyncset.done $0x0  }
0x1e: {  	[sflag:s3] =	ssyncadd.s32 $0xFFFFFFF0  }
0x1f: {  	v1 =	vld [tilespmem:$0x0];
	_ =	sdelay $0x4  }
0x20: {  	v1 =	vadd.s32 v0, v1  }
0x21: {  	s12 =	simm.s32 $0x180;
	[tilespmem:$0x80] =	vst v1  }
0x22: {  	[tilespmem:s12], [sflag:$0x1] =	stream.indirect.gather [hbm4b:s5+s6], $0x1, s7, s6, $0xb8;
	[tilespmem:$0x400] =	vst v63  }
0x23: {  	_ =	swait.ge [sflag:s9], $0x10  }
0x24: {  	[sflag:s9] =	ssyncset.done $0x0  }
0x25: {  	s13 =	sadd.s32 $0x400, s10;
	[sflag:s9] =	ssyncadd.s32 $0xFFFFFFF0  }
0x26: {  	[tilespmem:s2], [sflag:$0x2] =	stream.linear.gather [hbm4b:s13+s2], $0x10, $0x38;
	[tilespmem:$0x400] =	vst v63  }
0x27: {  	_ =	swait.ge [sflag:s3], $0x10  }
0x28: {  	[sflag:s3] =	ssyncset.done $0x0  }
0x29: {  	[sflag:s3] =	ssyncadd.s32 $0xFFFFFFF0  }
0x2a: {  	v1 =	vld [tilespmem:$0x0];
	_ =	sdelay $0x4  }
0x2b: {  	v1 =	vadd.s32 v0, v1  }
0x2c: {  	s15 =	simm.s32 $0x200;
	s14 =	sadd.s32 $0x7A2A00, s14;
	[tilespmem:$0x80] =	vst v1  }
0x2d: {  	[tilespmem:s15], [sflag:$0x1] =	stream.indirect.gather [hbm4b:s14+s6], $0x1, s7, s6, $0xb8;
	[tilespmem:$0x400] =	vst v63  }
0x2e: {  	_ =	swait.ge [sflag:s9], $0x10  }
0x2f: {  	[sflag:s9] =	ssyncset.done $0x0  }
0x30: {  	s16 =	sadd.s32 $0x600, s10;
	[sflag:s9] =	ssyncadd.s32 $0xFFFFFFF0  }
0x31: {  	[tilespmem:s2], [sflag:$0x2] =	stream.linear.gather [hbm4b:s16+s2], $0x10, $0x38;
	[tilespmem:$0x400] =	vst v63  }
0x32: {  	_ =	swait.ge [sflag:s3], $0x10  }
0x33: {  	[sflag:s3] =	ssyncset.done $0x0  }
0x34: {  	[sflag:s3] =	ssyncadd.s32 $0xFFFFFFF0  }
0x35: {  	v1 =	vld [tilespmem:$0x0];
	_ =	sdelay $0x4  }
0x36: {  	v1 =	vadd.s32 v0, v1  }
0x37: {  	s17 =	simm.s32 $0x280;
	[tilespmem:$0x80] =	vst v1  }
0x38: {  	[tilespmem:s17], [sflag:$0x1] =	stream.indirect.gather [hbm4b:s14+s6], $0x1, s7, s6, $0xb8;
	[tilespmem:$0x400] =	vst v63  }
0x39: {  	_ =	swait.ge [sflag:s9], $0x10  }
0x3a: {  	[sflag:s9] =	ssyncset.done $0x0  }
0x3b: {  	s18 =	simm.s32 $0x300;
	[sflag:s9] =	ssyncadd.s32 $0xFFFFFFF0  }
0x3c: {  	[tilespmem:s18], [sflag:$0x2] =	stream.linear.gather [hbm4b:s10+s2], $0x10, $0x38;
	[tilespmem:$0x400] =	vst v63  }
0x3d: {  	_ =	swait.ge [sflag:s3], $0x10  }
0x3e: {  	[sflag:s3] =	ssyncset.done $0x0  }
0x3f: {  	[sflag:s3] =	ssyncadd.s32 $0xFFFFFFF0  }
0x40: {  	v1 =	vld [tilespmem:$0x300]  }
0x41: {  	v2 =	vld [tilespmem:$0x100];
	_ =	sdelay $0x1  }
0x42: {  	v3 =	vld [tilespmem:$0x200];
	_ =	sdelay $0x2  }
0x43: {  	v1 =	vsub.f32 v1, v2;
	_ =	sdelay $0x1  }
0x44: {  	v1 =	vsub.f32 v1, v3;
	_ =	sdelay $0x1  }
0x45: {  	s20 =	sadd.s32 s19, s22;
	s19 =	simm.s32 $0x380;
	[tilespmem:$0x380] =	vst v1  }
0x46: {  	[hbm4b:s20+s2] =	stream.linear.scatter [tilespmem:s19], [sflag:$0x2], $0x10, $0x38;
	[tilespmem:$0x400] =	vst v63  }
0x47: {  	_ =	swait.ge [sflag:s3], $0x10  }
0x48: {  	[sflag:s3] =	ssyncset.done $0x0  }
0x49: {  	[sflag:s3] =	ssyncadd.s32 $0xFFFFFFF0  }
0x4a: {  	v1 =	vld [tilespmem:$0x300]  }
0x4b: {  	s23 =	ssub.s32 $0x2, s23;
	v2 =	vld [tilespmem:$0x180]  }
0x4c: {  	s24 =	sshrl.u32 s23, $0x1  }
0x4d: {  	s23 =	ssub.s32 s23, s24;
	v3 =	vld [tilespmem:$0x280]  }
0x4e: {  	s23 =	smax.u32 s23, $0x1  }
0x4f: {  	p0 =	sne.s32 s23, $0x1  }
.Ltmp1:
0x50: {  	v1 =	vsub.f32 v1, v2;
	(pc) =	sbr.rel @!p0 .LBB2_3-.Ltmp1, $3  }
0x51: {  	_ = 	snop  }
0x52: {  	v1 =	vsub.f32 v1, v3;
	_ =	sdelay $0x1  }
0x53: {  	s21 =	sadd.s32 s21, s22;
	s22 =	sadd.s32 $0xFFFFFFFF, s23;
	[tilespmem:$0x380] =	vst v1  }
.LBB2_2:
0x54: {  	[hbm4b:s21+s2] =	stream.linear.scatter [tilespmem:s19], [sflag:$0x2], $0x10, $0x38;
	[tilespmem:$0x400] =	vst v63  }
0x55: {  	p0 =	sne.s32 s22, $0x1;
	s22 =	sadd.s32 $0xFFFFFFFF, s22;
	_ =	swait.ge [sflag:s3], $0x10  }
0x56: {  	[sflag:s3] =	ssyncset.done $0x0  }
0x57: {  	[sflag:s3] =	ssyncadd.s32 $0xFFFFFFF0  }
0x58: {  	[tilespmem:s2], [sflag:$0x2] =	stream.linear.gather [hbm4b:s4+s2], $0x10, $0x38;
	[tilespmem:$0x400] =	vst v63  }
0x59: {  	_ =	swait.ge [sflag:s3], $0x10  }
0x5a: {  	[sflag:s3] =	ssyncset.done $0x0  }
0x5b: {  	[sflag:s3] =	ssyncadd.s32 $0xFFFFFFF0  }
0x5c: {  	v1 =	vld [tilespmem:$0x0];
	_ =	sdelay $0x4  }
0x5d: {  	v1 =	vadd.s32 v0, v1  }
0x5e: {  	[tilespmem:$0x80] =	vst v1  }
0x5f: {  	[tilespmem:s8], [sflag:$0x1] =	stream.indirect.gather [hbm4b:s5+s6], $0x1, s7, s6, $0xb8;
	[tilespmem:$0x400] =	vst v63  }
0x60: {  	_ =	swait.ge [sflag:s9], $0x10  }
0x61: {  	[sflag:s9] =	ssyncset.done $0x0  }
0x62: {  	[sflag:s9] =	ssyncadd.s32 $0xFFFFFFF0  }
0x63: {  	[tilespmem:s2], [sflag:$0x2] =	stream.linear.gather [hbm4b:s11+s2], $0x10, $0x38;
	[tilespmem:$0x400] =	vst v63  }
0x64: {  	_ =	swait.ge [sflag:s3], $0x10  }
0x65: {  	[sflag:s3] =	ssyncset.done $0x0  }
0x66: {  	[sflag:s3] =	ssyncadd.s32 $0xFFFFFFF0  }
0x67: {  	v1 =	vld [tilespmem:$0x0];
	_ =	sdelay $0x4  }
0x68: {  	v1 =	vadd.s32 v0, v1  }
0x69: {  	[tilespmem:$0x80] =	vst v1  }
0x6a: {  	[tilespmem:s12], [sflag:$0x1] =	stream.indirect.gather [hbm4b:s5+s6], $0x1, s7, s6, $0xb8;
	[tilespmem:$0x400] =	vst v63  }
0x6b: {  	_ =	swait.ge [sflag:s9], $0x10  }
0x6c: {  	[sflag:s9] =	ssyncset.done $0x0  }
0x6d: {  	[sflag:s9] =	ssyncadd.s32 $0xFFFFFFF0  }
0x6e: {  	[tilespmem:s2], [sflag:$0x2] =	stream.linear.gather [hbm4b:s13+s2], $0x10, $0x38;
	[tilespmem:$0x400] =	vst v63  }
0x6f: {  	_ =	swait.ge [sflag:s3], $0x10  }
0x70: {  	[sflag:s3] =	ssyncset.done $0x0  }
0x71: {  	[sflag:s3] =	ssyncadd.s32 $0xFFFFFFF0  }
0x72: {  	v1 =	vld [tilespmem:$0x0];
	_ =	sdelay $0x4  }
0x73: {  	v1 =	vadd.s32 v0, v1  }
0x74: {  	[tilespmem:$0x80] =	vst v1  }
0x75: {  	[tilespmem:s15], [sflag:$0x1] =	stream.indirect.gather [hbm4b:s14+s6], $0x1, s7, s6, $0xb8;
	[tilespmem:$0x400] =	vst v63  }
0x76: {  	_ =	swait.ge [sflag:s9], $0x10  }
0x77: {  	[sflag:s9] =	ssyncset.done $0x0  }
0x78: {  	[sflag:s9] =	ssyncadd.s32 $0xFFFFFFF0  }
0x79: {  	[tilespmem:s2], [sflag:$0x2] =	stream.linear.gather [hbm4b:s16+s2], $0x10, $0x38;
	[tilespmem:$0x400] =	vst v63  }
0x7a: {  	_ =	swait.ge [sflag:s3], $0x10  }
0x7b: {  	[sflag:s3] =	ssyncset.done $0x0  }
0x7c: {  	[sflag:s3] =	ssyncadd.s32 $0xFFFFFFF0  }
0x7d: {  	v1 =	vld [tilespmem:$0x0];
	_ =	sdelay $0x4  }
0x7e: {  	v1 =	vadd.s32 v0, v1  }
0x7f: {  	[tilespmem:$0x80] =	vst v1  }
0x80: {  	[tilespmem:s17], [sflag:$0x1] =	stream.indirect.gather [hbm4b:s14+s6], $0x1, s7, s6, $0xb8;
	[tilespmem:$0x400] =	vst v63  }
0x81: {  	_ =	swait.ge [sflag:s9], $0x10  }
0x82: {  	[sflag:s9] =	ssyncset.done $0x0  }
0x83: {  	[sflag:s9] =	ssyncadd.s32 $0xFFFFFFF0  }
0x84: {  	[tilespmem:s18], [sflag:$0x2] =	stream.linear.gather [hbm4b:s10+s2], $0x10, $0x38;
	[tilespmem:$0x400] =	vst v63  }
0x85: {  	_ =	swait.ge [sflag:s3], $0x10  }
0x86: {  	[sflag:s3] =	ssyncset.done $0x0  }
0x87: {  	[sflag:s3] =	ssyncadd.s32 $0xFFFFFFF0  }
0x88: {  	v1 =	vld [tilespmem:$0x300]  }
0x89: {  	v2 =	vld [tilespmem:$0x100];
	_ =	sdelay $0x1  }
0x8a: {  	v3 =	vld [tilespmem:$0x200];
	_ =	sdelay $0x2  }
0x8b: {  	v1 =	vsub.f32 v1, v2;
	_ =	sdelay $0x1  }
0x8c: {  	v1 =	vsub.f32 v1, v3;
	_ =	sdelay $0x1  }
0x8d: {  	[tilespmem:$0x380] =	vst v1  }
0x8e: {  	[hbm4b:s20+s2] =	stream.linear.scatter [tilespmem:s19], [sflag:$0x2], $0x10, $0x38;
	[tilespmem:$0x400] =	vst v63  }
0x8f: {  	_ =	swait.ge [sflag:s3], $0x10  }
0x90: {  	[sflag:s3] =	ssyncset.done $0x0  }
0x91: {  	[sflag:s3] =	ssyncadd.s32 $0xFFFFFFF0  }
0x92: {  	v1 =	vld [tilespmem:$0x300]  }
0x93: {  	v2 =	vld [tilespmem:$0x180];
	_ =	sdelay $0x1  }
0x94: {  	v3 =	vld [tilespmem:$0x280];
	_ =	sdelay $0x2  }
.Ltmp2:
0x95: {  	v1 =	vsub.f32 v1, v2;
	(pc) =	sbr.rel @p0 .LBB2_2-.Ltmp2, $3  }
0x96: {  	_ = 	snop  }
0x97: {  	v1 =	vsub.f32 v1, v3;
	_ =	sdelay $0x1  }
0x98: {  	[tilespmem:$0x380] =	vst v1  }
.LBB2_3:
0x99: {  	[hbm4b:s21+s2] =	stream.linear.scatter [tilespmem:s19], [sflag:$0x2], $0x10, $0x38;
	[tilespmem:$0x400] =	vst v63  }
0x9a: {  	_ =	swait.ge [sflag:s3], $0x10  }
0x9b: {  	[sflag:s3] =	ssyncset.done $0x0  }
0x9c: {  	[sflag:s3] =	ssyncadd.s32 $0xFFFFFFF0  }
.LBB2_4:
0x9d: {  	_ =	sfence.sel $0x180000  }
0x9e: {  	[bflag:$0x0] =	sbarrier.arrive $0xFFFF  }
0x9f: {  	p0 =	sne.s32 s1, $0x0;
	_ =	strace $0x90000047  }
0xa0: {  	s0 =	sadd.s32 @!p0 $0x100000, s0;
	[bflag:$0x2] =	sbarrier.arrive $0xFFFF  }
0xa1: {  	[sflag:s0] =	ssyncadd.tile.s32 @!p0 $0x1;
	_ =	shalt  }
.Lfunc_end2:
_tile_overlayer_lowered:
.L_overlay_start_2:
0xa2: {  	(tag) =	ssettag $0x2  }
0xa3: {  	s0 =	rddreg [dreg:$0x0];
	s2 =	stileid.u32  }
0xa4: {  	s1 =	rddreg [dreg:$0x1];
	p0 =	sne.s32 s2, $0x0  }
0xa5: {  	s3 =	rddreg [dreg:$0x2];
	[bflag:$0x3] =	sbarrier.arrive $0xFFFF;
	s2 =	simm.s32 @!p0 $0x1C02  }
0xa6: {  	[timem:s3], [sflag:s2] =	dma.local @!p0 [hbm:s0], s1  }
0xa7: {  	s0 =	simm.s32 @!p0 $0x2  }
0xa8: {  	_ =	swait.ge @!p0 [sflag:s0], s1  }
0xa9: {  	s1 =	ssub.s32 @!p0 $0x0, s1;
	[sflag:s0] =	ssyncset.done @!p0 $0x0  }
0xaa: {  	[sflag:s0] =	ssyncadd.s32 @!p0 s1  }
0xab: {  	[bflag:$0x3] =	sbarrier.arrive $0xFFFF  }
0xac: {  	_ =	shalt  }

</sc_bundles>
